<compile_context>
chip_gen: v7x
topology: tpu7x:2x2x1
jax: 0.10.2.dev20260603
libtpu: 0.0.44.dev20260713+nightly
codegen_flags: <defaults>
</compile_context>

<pallas_src>
import functools

import jax
import jax.numpy as jnp
from jax import lax
from jax.experimental import pallas as pl
from jax.experimental.pallas import tpu as pltpu
from jax.experimental.pallas import tpu_sc as plsc

NN = 10000
NE = 320000
D = 128
NC, NS = 2, 16
NW = NC * NS
CH = 128
NCHUNK = 80
EPW = NCHUNK * CH
NEP = NW * EPW
NNP = 10112
RPT = NNP // NS
RPT_LAST = RPT - (NNP - NN)
DEGW = 128
TRASH = NN

_MESH = plsc.VectorSubcoreMesh(core_axis_name="c", subcore_axis_name="s")


def _deg_body(dst_hbm, ones_hbm, zeros_hbm, out_hbm, idx_v, ones_v, acc_sh):
    c = lax.axis_index("c")
    s = lax.axis_index("s")
    w = c * NS + s
    pltpu.sync_copy(zeros_hbm, acc_sh.at[pl.ds(s * RPT, RPT)])
    pltpu.sync_copy(ones_hbm, ones_v)
    pltpu.sync_copy(dst_hbm.at[w], idx_v)
    plsc.subcore_barrier()

    def body(j, carry):
        pltpu.sync_copy(ones_v, acc_sh.at[idx_v.at[j]], add=True)
        return carry

    lax.fori_loop(0, NCHUNK, body, 0)
    plsc.subcore_barrier()
    _writeback(acc_sh, out_hbm, c, s)


def _writeback(acc_sh, out_hbm, c, s):
    @pl.when(s < NS - 1)
    def _():
        pltpu.sync_copy(acc_sh.at[pl.ds(s * RPT, RPT)],
                        out_hbm.at[pl.ds(c * NN + s * RPT, RPT)])

    @pl.when(s == NS - 1)
    def _():
        pltpu.sync_copy(acc_sh.at[pl.ds(s * RPT, RPT_LAST)],
                        out_hbm.at[pl.ds(c * NN + s * RPT, RPT_LAST)])


_deg_call = pl.kernel(
    _deg_body,
    out_type=jax.ShapeDtypeStruct((NC * NN, DEGW), jnp.float32),
    mesh=_MESH,
    scratch_types=[
        pltpu.VMEM((NCHUNK, CH), jnp.int32),
        pltpu.VMEM((CH, DEGW), jnp.float32),
        pltpu.VMEM_SHARED((NNP, DEGW), jnp.float32),
    ],
)


NPHASE = 2
PH = NCHUNK // NPHASE


def _scat_body(g_hbm, src_hbm, dst_hbm, zeros_hbm, out_hbm,
               src_v, dst_v, rows0, rows1, sem0, sem1, acc_sh):
    c = lax.axis_index("c")
    s = lax.axis_index("s")
    w = c * NS + s
    pltpu.sync_copy(zeros_hbm, acc_sh.at[pl.ds(s * RPT, RPT)])
    plsc.subcore_barrier()

    for p in range(NPHASE):
        pltpu.sync_copy(src_hbm.at[w, pl.ds(p * PH, PH)], src_v)
        pltpu.sync_copy(dst_hbm.at[w, pl.ds(p * PH, PH)], dst_v)
        pltpu.async_copy(g_hbm.at[src_v.at[0]], rows0, sem0)

        def body(t, carry):
            j0 = 2 * t
            pltpu.async_copy(g_hbm.at[src_v.at[j0 + 1]], rows1, sem1)
            pltpu.make_async_copy(g_hbm.at[src_v.at[j0]], rows0, sem0).wait()
            pltpu.sync_copy(rows0, acc_sh.at[dst_v.at[j0]], add=True)

            @pl.when(j0 + 2 < PH)
            def _():
                pltpu.async_copy(g_hbm.at[src_v.at[j0 + 2]], rows0, sem0)

            pltpu.make_async_copy(
                g_hbm.at[src_v.at[j0 + 1]], rows1, sem1).wait()
            pltpu.sync_copy(rows1, acc_sh.at[dst_v.at[j0 + 1]], add=True)
            return carry

        lax.fori_loop(0, PH // 2, body, 0)
    plsc.subcore_barrier()
    _writeback(acc_sh, out_hbm, c, s)


_scatter_call = pl.kernel(
    _scat_body,
    out_type=jax.ShapeDtypeStruct((NC * NN, D), jnp.float32),
    mesh=_MESH,
    scratch_types=[
        pltpu.VMEM((PH, CH), jnp.int32),
        pltpu.VMEM((PH, CH), jnp.int32),
        pltpu.VMEM((CH, D), jnp.float32),
        pltpu.VMEM((CH, D), jnp.float32),
        pltpu.SemaphoreType.DMA,
        pltpu.SemaphoreType.DMA,
        pltpu.VMEM_SHARED((NNP, D), jnp.float32),
    ],
)


RB = 1000


def _tcb_body(degp_ref, x_ref, w_ref, dinv_ref, h_ref, g_ref):
    deg = degp_ref[0] + degp_ref[1] + 1.0
    dinv = lax.rsqrt(deg)
    h = jnp.dot(x_ref[...], w_ref[...], preferred_element_type=jnp.float32)
    dinv_ref[...] = dinv
    h_ref[...] = h
    g_ref[...] = dinv * h


def _tcb_call(degp, x, W1):
    return pl.pallas_call(
        _tcb_body,
        grid=(NN // RB,),
        in_specs=[
            pl.BlockSpec((NC, RB, 1), lambda i: (0, i, 0)),
            pl.BlockSpec((RB, D), lambda i: (i, 0)),
            pl.BlockSpec((D, D), lambda i: (0, 0)),
        ],
        out_specs=[
            pl.BlockSpec((RB, 1), lambda i: (i, 0)),
            pl.BlockSpec((RB, D), lambda i: (i, 0)),
            pl.BlockSpec((RB, D), lambda i: (i, 0)),
        ],
        out_shape=[
            jax.ShapeDtypeStruct((NN, 1), jnp.float32),
            jax.ShapeDtypeStruct((NN, D), jnp.float32),
            jax.ShapeDtypeStruct((NN, D), jnp.float32),
        ],
    )(degp, x, W1)


def _tcd_body(acc_ref, dinv_ref, h_ref, bpre_ref, w_ref, bpost_ref,
              h2_ref, g2_ref):
    dinv = dinv_ref[...]
    z = dinv * (acc_ref[0] + acc_ref[1] + dinv * h_ref[...]) + bpre_ref[...]
    z = jnp.maximum(z, 0.0)
    h2 = (jnp.dot(z, w_ref[...], preferred_element_type=jnp.float32)
          + bpost_ref[...])
    h2_ref[...] = h2
    g2_ref[...] = dinv * h2


def _tcd_call(acc, dinv, h, b_pre, W, b_post):
    return pl.pallas_call(
        _tcd_body,
        grid=(NN // RB,),
        in_specs=[
            pl.BlockSpec((NC, RB, D), lambda i: (0, i, 0)),
            pl.BlockSpec((RB, 1), lambda i: (i, 0)),
            pl.BlockSpec((RB, D), lambda i: (i, 0)),
            pl.BlockSpec((1, D), lambda i: (0, 0)),
            pl.BlockSpec((D, D), lambda i: (0, 0)),
            pl.BlockSpec((1, D), lambda i: (0, 0)),
        ],
        out_specs=[
            pl.BlockSpec((RB, D), lambda i: (i, 0)),
            pl.BlockSpec((RB, D), lambda i: (i, 0)),
        ],
        out_shape=[
            jax.ShapeDtypeStruct((NN, D), jnp.float32),
            jax.ShapeDtypeStruct((NN, D), jnp.float32),
        ],
    )(acc, dinv, h, b_pre, W, b_post)


@jax.jit
def kernel(x, edge_index, W1, b1, W2, b2, Wfc, bfc):
    ncls = Wfc.shape[1]
    ei = edge_index.astype(jnp.int32)
    npad = NEP - NE
    it = jnp.arange(npad, dtype=jnp.int32)
    src = jnp.concatenate(
        [ei[0], (it * 131) % NN]).reshape(NW, NCHUNK, CH)
    dst = jnp.concatenate(
        [ei[1], TRASH + it % (NNP - NN)]).reshape(NW, NCHUNK, CH)
    ones8 = jnp.ones((CH, DEGW), jnp.float32)
    zeros8 = jnp.zeros((RPT, DEGW), jnp.float32)
    zerosd = jnp.zeros((RPT, D), jnp.float32)

    degp = _deg_call(dst, ones8, zeros8)
    degp = degp[:, :1].reshape(NC, NN, 1)
    dinv, h1, g1 = _tcb_call(degp, x, W1)

    wfc_pad = jnp.pad(Wfc, ((0, 0), (0, D - ncls)))
    bfc_pad = jnp.pad(bfc, (0, D - ncls))
    zcol = jnp.zeros((1, D), jnp.float32)

    acc1 = _scatter_call(g1, src, dst, zerosd).reshape(NC, NN, D)
    h2, g2 = _tcd_call(acc1, dinv, h1, b1.reshape(1, D), W2, zcol)
    acc2 = _scatter_call(g2, src, dst, zerosd).reshape(NC, NN, D)
    hf, _ = _tcd_call(acc2, dinv, h2, b2.reshape(1, D), wfc_pad,
                      bfc_pad.reshape(1, D))
    return hf[:, :ncls]

# --- scband reference (transcript-rebuilt; emitter-appended) ---
"""Pipeline reference for scband-gcn-25795573580510 (READ-ONLY COPY).

The authoritative reference and input builder live on the scoring server;
editing this copy changes nothing except your own understanding.
"""

import jax, jax.numpy as jnp
import numpy as np

N_NODES = 10000
N_EDGES = 320000
IN_CH = 128
HID_CH = 128
OUT_CH = 128
N_CLASSES = 40


def gcn_conv(x, edge_index, W, b, num_nodes):
    # PyG GCNConv: x' = D^{-1/2} (A + I) D^{-1/2} (X W) + b
    h = x @ W
    src = edge_index[0]
    dst = edge_index[1]
    loop = jnp.arange(num_nodes, dtype=edge_index.dtype)
    src = jnp.concatenate([src, loop])
    dst = jnp.concatenate([dst, loop])
    deg = jnp.zeros((num_nodes,), dtype=h.dtype).at[dst].add(1.0)
    dinv = jnp.where(deg > 0, deg ** -0.5, 0.0)
    norm = dinv[src] * dinv[dst]
    msg = h[src] * norm[:, None]
    out = jnp.zeros((num_nodes, h.shape[1]), dtype=h.dtype).at[dst].add(msg)
    return out + b


def setup_inputs(seed: int = 0) -> dict:
    key = jax.random.key(seed)
    k = jax.random.split(key, 8)
    x = jax.random.normal(k[0], (N_NODES, IN_CH), dtype=jnp.float32)
    edge_index = jax.random.randint(k[1], (2, N_EDGES), 0, N_NODES, dtype=jnp.int64)
    W1 = jax.random.normal(k[2], (IN_CH, HID_CH), dtype=jnp.float32) * (1.0 / np.sqrt(IN_CH))
    b1 = jnp.zeros((HID_CH,), dtype=jnp.float32)
    W2 = jax.random.normal(k[3], (HID_CH, OUT_CH), dtype=jnp.float32) * (1.0 / np.sqrt(HID_CH))
    b2 = jnp.zeros((OUT_CH,), dtype=jnp.float32)
    Wfc = jax.random.normal(k[4], (OUT_CH, N_CLASSES), dtype=jnp.float32) * (1.0 / np.sqrt(OUT_CH))
    bfc = jnp.zeros((N_CLASSES,), dtype=jnp.float32)
    return {"x": x, "edge_index": edge_index, "W1": W1, "b1": b1, "W2": W2, "b2": b2, "Wfc": Wfc, "bfc": bfc}


def reference(x, edge_index, W1, b1, W2, b2, Wfc, bfc):
    h = gcn_conv(x, edge_index, W1, b1, N_NODES)
    h = jax.nn.relu(h)
    h = gcn_conv(h, edge_index, W2, b2, N_NODES)
    h = jax.nn.relu(h)
    out = h @ Wfc + bfc
    return out

if __name__ == "__main__":
    import jax
    _d = setup_inputs()
    print(jax.jit(kernel)(*tuple(_d.values())))

</pallas_src>

<mosaic_0001>
#map = affine_map<(d0, d1) -> (0, 0, 0)>
#map1 = affine_map<(d0, d1) -> (0, 0)>
module attributes {stable_mosaic.version = 14 : i64} {
  func.func @_deg_body(%arg0: i32, %arg1: i32, %arg2: memref<32x80x128xi32, #tpu.memory_space<hbm>>, %arg3: memref<128x128xf32, #tpu.memory_space<hbm>>, %arg4: memref<632x128xf32, #tpu.memory_space<hbm>>, %arg5: memref<20000x128xf32, #tpu.memory_space<hbm>>, %arg6: memref<80x128xi32, #tpu.memory_space<vmem>>, %arg7: memref<128x128xf32, #tpu.memory_space<vmem>>, %arg8: memref<10112x128xf32, #tpu.memory_space<vmem_shared>>) attributes {dimension_semantics = [#tpu.dimension_semantics<core_parallel>, #tpu.dimension_semantics<subcore_parallel>], iteration_bounds = array<i64: 2, 16>, scalar_prefetch = 0 : i64, scratch_operands = 3 : i64, tpu.core_type = #tpu.core_type<sc_vector_subcore>, window_params = [{transform_indices = #map}, {transform_indices = #map1}, {transform_indices = #map1}, {transform_indices = #map1}]} {
    %mul3A = arith.constant 16 : i32
    %mul3A_0 = arith.muli %arg0, %mul3A : i32
    %add3A = arith.addi %mul3A_0, %arg1 : i32
    %mul3A_1 = arith.constant 632 : i32
    %mul3A_2 = arith.muli %arg1, %mul3A_1 : i32
    "tpu.region"() ({
      %run_scoped3A = tpu.sem_alloc : memref<!tpu.dma_semaphore, #tpu.memory_space<semaphore_mem>>
      %dma_start3A = arith.constant 0 : i32
      %dma_start3A_15 = tpu.memref_slice %arg8[%mul3A_2, %dma_start3A] : memref<10112x128xf32, #tpu.memory_space<vmem_shared>> -> memref<632x128xf32, #tpu.memory_space<vmem_shared>>
      tpu.enqueue_dma source(%arg4 : memref<632x128xf32, #tpu.memory_space<hbm>>) target(%dma_start3A_15 : memref<632x128xf32, #tpu.memory_space<vmem_shared>>) target_semaphore(%run_scoped3A : memref<!tpu.dma_semaphore, #tpu.memory_space<semaphore_mem>>)
      %dma_wait3A = arith.constant 0 : i32
      %dma_wait3A_16 = tpu.memref_slice %arg8[%mul3A_2, %dma_wait3A] : memref<10112x128xf32, #tpu.memory_space<vmem_shared>> -> memref<632x128xf32, #tpu.memory_space<vmem_shared>>
      tpu.wait_dma2 semaphore(%run_scoped3A : memref<!tpu.dma_semaphore, #tpu.memory_space<semaphore_mem>>) src(%arg4 : memref<632x128xf32, #tpu.memory_space<hbm>>) dst(%dma_wait3A_16 : memref<632x128xf32, #tpu.memory_space<vmem_shared>>)
      tpu.yield
    }) : () -> ()
    "tpu.region"() ({
      %run_scoped3A = tpu.sem_alloc : memref<!tpu.dma_semaphore, #tpu.memory_space<semaphore_mem>>
      tpu.enqueue_dma source(%arg3 : memref<128x128xf32, #tpu.memory_space<hbm>>) target(%arg7 : memref<128x128xf32, #tpu.memory_space<vmem>>) target_semaphore(%run_scoped3A : memref<!tpu.dma_semaphore, #tpu.memory_space<semaphore_mem>>)
      tpu.wait_dma2 semaphore(%run_scoped3A : memref<!tpu.dma_semaphore, #tpu.memory_space<semaphore_mem>>) src(%arg3 : memref<128x128xf32, #tpu.memory_space<hbm>>) dst(%arg7 : memref<128x128xf32, #tpu.memory_space<vmem>>)
      tpu.yield
    }) : () -> ()
    "tpu.region"() ({
      %run_scoped3A = tpu.sem_alloc : memref<!tpu.dma_semaphore, #tpu.memory_space<semaphore_mem>>
      %dma_start3A = arith.constant 0 : i32
      %dma_start3A_15 = arith.constant 0 : i32
      %dma_start3A_16 = tpu.memref_slice %arg2[%add3A, %dma_start3A, %dma_start3A_15] : memref<32x80x128xi32, #tpu.memory_space<hbm>> -> memref<1x80x128xi32, #tpu.memory_space<hbm>>
      %dma_start3A_17 = tpu.memref_squeeze %dma_start3A_16 : memref<1x80x128xi32, #tpu.memory_space<hbm>> -> memref<80x128xi32, #tpu.memory_space<hbm>>
      %dma_start3A_18 = arith.constant 0 : i32
      %dma_start3A_19 = arith.constant 0 : i32
      %dma_start3A_20 = tpu.memref_slice %arg2[%add3A, %dma_start3A_18, %dma_start3A_19] : memref<32x80x128xi32, #tpu.memory_space<hbm>> -> memref<1x80x128xi32, #tpu.memory_space<hbm>>
      %dma_start3A_21 = tpu.memref_squeeze %dma_start3A_20 : memref<1x80x128xi32, #tpu.memory_space<hbm>> -> memref<80x128xi32, #tpu.memory_space<hbm>>
      tpu.enqueue_dma source(%dma_start3A_21 : memref<80x128xi32, #tpu.memory_space<hbm>>) target(%arg6 : memref<80x128xi32, #tpu.memory_space<vmem>>) target_semaphore(%run_scoped3A : memref<!tpu.dma_semaphore, #tpu.memory_space<semaphore_mem>>)
      %dma_wait3A = arith.constant 0 : i32
      %dma_wait3A_22 = arith.constant 0 : i32
      %dma_wait3A_23 = tpu.memref_slice %arg2[%add3A, %dma_wait3A, %dma_wait3A_22] : memref<32x80x128xi32, #tpu.memory_space<hbm>> -> memref<1x80x128xi32, #tpu.memory_space<hbm>>
      %dma_wait3A_24 = tpu.memref_squeeze %dma_wait3A_23 : memref<1x80x128xi32, #tpu.memory_space<hbm>> -> memref<80x128xi32, #tpu.memory_space<hbm>>
      %dma_wait3A_25 = arith.constant 0 : i32
      %dma_wait3A_26 = arith.constant 0 : i32
      %dma_wait3A_27 = tpu.memref_slice %arg2[%add3A, %dma_wait3A_25, %dma_wait3A_26] : memref<32x80x128xi32, #tpu.memory_space<hbm>> -> memref<1x80x128xi32, #tpu.memory_space<hbm>>
      %dma_wait3A_28 = tpu.memref_squeeze %dma_wait3A_27 : memref<1x80x128xi32, #tpu.memory_space<hbm>> -> memref<80x128xi32, #tpu.memory_space<hbm>>
      tpu.wait_dma2 semaphore(%run_scoped3A : memref<!tpu.dma_semaphore, #tpu.memory_space<semaphore_mem>>) src(%dma_wait3A_28 : memref<80x128xi32, #tpu.memory_space<hbm>>) dst(%arg6 : memref<80x128xi32, #tpu.memory_space<vmem>>)
      tpu.yield
    }) : () -> ()
    %barrier3A = arith.constant 0 : index
    tpu.barrier barrier_id(%barrier3A)
    %scan3A = arith.constant 0 : i32
    %scan3A_3 = arith.constant 0 : i32
    %scan3A_4 = arith.constant 80 : i32
    %scan3A_5 = arith.addi %scan3A_3, %scan3A_4 : i32
    %scan3A_6 = arith.constant 1 : i32
    scf.for %scan3A_15 = %scan3A_3 to %scan3A_5 step %scan3A_6  : i32 {
      "tpu.region"() ({
        %run_scoped3A = tpu.sem_alloc : memref<!tpu.dma_semaphore, #tpu.memory_space<semaphore_mem>>
        %dma_start3A = arith.constant 0 : i32
        %dma_start3A_16 = tpu.memref_slice %arg6[%scan3A_15, %dma_start3A] : memref<80x128xi32, #tpu.memory_space<vmem>> -> memref<1x128xi32, #tpu.memory_space<vmem>>
        %dma_start3A_17 = tpu.memref_squeeze %dma_start3A_16 : memref<1x128xi32, #tpu.memory_space<vmem>> -> memref<128xi32, #tpu.memory_space<vmem>>
        %dma_start3A_18 = arith.constant 0 : i32
        %dma_start3A_19 = arith.constant 0 : i32
        %dma_start3A_20 = tpu.memref_slice %arg8[%dma_start3A_18, %dma_start3A_19] : memref<10112x128xf32, #tpu.memory_space<vmem_shared>> -> memref<10112x128xf32, #tpu.memory_space<vmem_shared>>
        tpu.enqueue_indirect_dma source(%arg7 : memref<128x128xf32, #tpu.memory_space<vmem>>) target(%dma_start3A_20 : memref<10112x128xf32, #tpu.memory_space<vmem_shared>>) offsets(%dma_start3A_17 : memref<128xi32, #tpu.memory_space<vmem>>) semaphore(%run_scoped3A : memref<!tpu.dma_semaphore, #tpu.memory_space<semaphore_mem>>) {add = true}
        %dma_wait3A = arith.constant 0 : i32
        %dma_wait3A_21 = tpu.memref_slice %arg6[%scan3A_15, %dma_wait3A] : memref<80x128xi32, #tpu.memory_space<vmem>> -> memref<1x128xi32, #tpu.memory_space<vmem>>
        %dma_wait3A_22 = tpu.memref_squeeze %dma_wait3A_21 : memref<1x128xi32, #tpu.memory_space<vmem>> -> memref<128xi32, #tpu.memory_space<vmem>>
        %dma_wait3A_23 = arith.constant 0 : i32
        %dma_wait3A_24 = arith.constant 0 : i32
        %dma_wait3A_25 = tpu.memref_slice %arg8[%dma_wait3A_23, %dma_wait3A_24] : memref<10112x128xf32, #tpu.memory_space<vmem_shared>> -> memref<10112x128xf32, #tpu.memory_space<vmem_shared>>
        tpu.wait_indirect_dma semaphore(%run_scoped3A : memref<!tpu.dma_semaphore, #tpu.memory_space<semaphore_mem>>) src(%arg7 : memref<128x128xf32, #tpu.memory_space<vmem>>) dst(%dma_wait3A_25 : memref<10112x128xf32, #tpu.memory_space<vmem_shared>>)
        tpu.yield
      }) : () -> ()
    }
    %scan3A_7 = arith.constant 80 : i32
    %barrier3A_8 = arith.constant 0 : index
    tpu.barrier barrier_id(%barrier3A_8)
    %lt3A = arith.constant 15 : i32
    %lt3A_9 = arith.cmpi slt, %arg1, %lt3A : i32
    %convert_element_type3A = arith.extui %lt3A_9 : i1 to i32
    %cond3A = arith.constant 0 : i32
    %cond3A_10 = arith.cmpi ne, %convert_element_type3A, %cond3A : i32
    scf.if %cond3A_10 {
      %mul3A_15 = arith.constant 632 : i32
      %mul3A_16 = arith.muli %arg1, %mul3A_15 : i32
      %mul3A_17 = arith.constant 10000 : i32
      %mul3A_18 = arith.muli %arg0, %mul3A_17 : i32
      %mul3A_19 = arith.constant 632 : i32
      %mul3A_20 = arith.muli %arg1, %mul3A_19 : i32
      %add3A_21 = arith.addi %mul3A_18, %mul3A_20 : i32
      "tpu.region"() ({
        %run_scoped3A = tpu.sem_alloc : memref<!tpu.dma_semaphore, #tpu.memory_space<semaphore_mem>>
        %dma_start3A = arith.constant 0 : i32
        %dma_start3A_22 = tpu.memref_slice %arg5[%add3A_21, %dma_start3A] : memref<20000x128xf32, #tpu.memory_space<hbm>> -> memref<632x128xf32, #tpu.memory_space<hbm>>
        %dma_start3A_23 = arith.constant 0 : i32
        %dma_start3A_24 = tpu.memref_slice %arg8[%mul3A_16, %dma_start3A_23] : memref<10112x128xf32, #tpu.memory_space<vmem_shared>> -> memref<632x128xf32, #tpu.memory_space<vmem_shared>>
        tpu.enqueue_dma source(%dma_start3A_24 : memref<632x128xf32, #tpu.memory_space<vmem_shared>>) target(%dma_start3A_22 : memref<632x128xf32, #tpu.memory_space<hbm>>) target_semaphore(%run_scoped3A : memref<!tpu.dma_semaphore, #tpu.memory_space<semaphore_mem>>)
        %dma_wait3A = arith.constant 0 : i32
        %dma_wait3A_25 = tpu.memref_slice %arg5[%add3A_21, %dma_wait3A] : memref<20000x128xf32, #tpu.memory_space<hbm>> -> memref<632x128xf32, #tpu.memory_space<hbm>>
        %dma_wait3A_26 = arith.constant 0 : i32
        %dma_wait3A_27 = tpu.memref_slice %arg8[%mul3A_16, %dma_wait3A_26] : memref<10112x128xf32, #tpu.memory_space<vmem_shared>> -> memref<632x128xf32, #tpu.memory_space<vmem_shared>>
        tpu.wait_dma2 semaphore(%run_scoped3A : memref<!tpu.dma_semaphore, #tpu.memory_space<semaphore_mem>>) src(%dma_wait3A_27 : memref<632x128xf32, #tpu.memory_space<vmem_shared>>) dst(%dma_wait3A_25 : memref<632x128xf32, #tpu.memory_space<hbm>>)
        tpu.yield
      }) : () -> ()
    } else {
    }
    %eq3A = arith.constant 15 : i32
    %eq3A_11 = arith.cmpi eq, %arg1, %eq3A : i32
    %convert_element_type3A_12 = arith.extui %eq3A_11 : i1 to i32
    %cond3A_13 = arith.constant 0 : i32
    %cond3A_14 = arith.cmpi ne, %convert_element_type3A_12, %cond3A_13 : i32
    scf.if %cond3A_14 {
      %mul3A_15 = arith.constant 632 : i32
      %mul3A_16 = arith.muli %arg1, %mul3A_15 : i32
      %mul3A_17 = arith.constant 10000 : i32
      %mul3A_18 = arith.muli %arg0, %mul3A_17 : i32
      %mul3A_19 = arith.constant 632 : i32
      %mul3A_20 = arith.muli %arg1, %mul3A_19 : i32
      %add3A_21 = arith.addi %mul3A_18, %mul3A_20 : i32
      "tpu.region"() ({
        %run_scoped3A = tpu.sem_alloc : memref<!tpu.dma_semaphore, #tpu.memory_space<semaphore_mem>>
        %dma_start3A = arith.constant 0 : i32
        %dma_start3A_22 = tpu.memref_slice %arg5[%add3A_21, %dma_start3A] : memref<20000x128xf32, #tpu.memory_space<hbm>> -> memref<520x128xf32, #tpu.memory_space<hbm>>
        %dma_start3A_23 = arith.constant 0 : i32
        %dma_start3A_24 = tpu.memref_slice %arg8[%mul3A_16, %dma_start3A_23] : memref<10112x128xf32, #tpu.memory_space<vmem_shared>> -> memref<520x128xf32, #tpu.memory_space<vmem_shared>>
        tpu.enqueue_dma source(%dma_start3A_24 : memref<520x128xf32, #tpu.memory_space<vmem_shared>>) target(%dma_start3A_22 : memref<520x128xf32, #tpu.memory_space<hbm>>) target_semaphore(%run_scoped3A : memref<!tpu.dma_semaphore, #tpu.memory_space<semaphore_mem>>)
        %dma_wait3A = arith.constant 0 : i32
        %dma_wait3A_25 = tpu.memref_slice %arg5[%add3A_21, %dma_wait3A] : memref<20000x128xf32, #tpu.memory_space<hbm>> -> memref<520x128xf32, #tpu.memory_space<hbm>>
        %dma_wait3A_26 = arith.constant 0 : i32
        %dma_wait3A_27 = tpu.memref_slice %arg8[%mul3A_16, %dma_wait3A_26] : memref<10112x128xf32, #tpu.memory_space<vmem_shared>> -> memref<520x128xf32, #tpu.memory_space<vmem_shared>>
        tpu.wait_dma2 semaphore(%run_scoped3A : memref<!tpu.dma_semaphore, #tpu.memory_space<semaphore_mem>>) src(%dma_wait3A_27 : memref<520x128xf32, #tpu.memory_space<vmem_shared>>) dst(%dma_wait3A_25 : memref<520x128xf32, #tpu.memory_space<hbm>>)
        tpu.yield
      }) : () -> ()
    } else {
    }
    return
  }
}

#map = affine_map<(d0, d1) -> (0, 0)>
#map1 = affine_map<(d0, d1) -> (0, 0, 0)>
module attributes {stable_mosaic.version = 14 : i64} {
  func.func @_scat_body(%arg0: i32, %arg1: i32, %arg2: memref<10000x128xf32, #tpu.memory_space<hbm>>, %arg3: memref<32x80x128xi32, #tpu.memory_space<hbm>>, %arg4: memref<32x80x128xi32, #tpu.memory_space<hbm>>, %arg5: memref<632x128xf32, #tpu.memory_space<hbm>>, %arg6: memref<20000x128xf32, #tpu.memory_space<hbm>>, %arg7: memref<40x128xi32, #tpu.memory_space<vmem>>, %arg8: memref<40x128xi32, #tpu.memory_space<vmem>>, %arg9: memref<128x128xf32, #tpu.memory_space<vmem>>, %arg10: memref<128x128xf32, #tpu.memory_space<vmem>>, %arg11: memref<!tpu.dma_semaphore, #tpu.memory_space<semaphore_mem>>, %arg12: memref<!tpu.dma_semaphore, #tpu.memory_space<semaphore_mem>>, %arg13: memref<10112x128xf32, #tpu.memory_space<vmem_shared>>) attributes {dimension_semantics = [#tpu.dimension_semantics<core_parallel>, #tpu.dimension_semantics<subcore_parallel>], iteration_bounds = array<i64: 2, 16>, scalar_prefetch = 0 : i64, scratch_operands = 7 : i64, tpu.core_type = #tpu.core_type<sc_vector_subcore>, window_params = [{transform_indices = #map}, {transform_indices = #map1}, {transform_indices = #map1}, {transform_indices = #map}, {transform_indices = #map}]} {
    %mul3A = arith.constant 16 : i32
    %mul3A_0 = arith.muli %arg0, %mul3A : i32
    %add3A = arith.addi %mul3A_0, %arg1 : i32
    %mul3A_1 = arith.constant 632 : i32
    %mul3A_2 = arith.muli %arg1, %mul3A_1 : i32
    "tpu.region"() ({
      %run_scoped3A = tpu.sem_alloc : memref<!tpu.dma_semaphore, #tpu.memory_space<semaphore_mem>>
      %dma_start3A_34 = arith.constant 0 : i32
      %dma_start3A_35 = tpu.memref_slice %arg13[%mul3A_2, %dma_start3A_34] : memref<10112x128xf32, #tpu.memory_space<vmem_shared>> -> memref<632x128xf32, #tpu.memory_space<vmem_shared>>
      tpu.enqueue_dma source(%arg5 : memref<632x128xf32, #tpu.memory_space<hbm>>) target(%dma_start3A_35 : memref<632x128xf32, #tpu.memory_space<vmem_shared>>) target_semaphore(%run_scoped3A : memref<!tpu.dma_semaphore, #tpu.memory_space<semaphore_mem>>)
      %dma_wait3A = arith.constant 0 : i32
      %dma_wait3A_36 = tpu.memref_slice %arg13[%mul3A_2, %dma_wait3A] : memref<10112x128xf32, #tpu.memory_space<vmem_shared>> -> memref<632x128xf32, #tpu.memory_space<vmem_shared>>
      tpu.wait_dma2 semaphore(%run_scoped3A : memref<!tpu.dma_semaphore, #tpu.memory_space<semaphore_mem>>) src(%arg5 : memref<632x128xf32, #tpu.memory_space<hbm>>) dst(%dma_wait3A_36 : memref<632x128xf32, #tpu.memory_space<vmem_shared>>)
      tpu.yield
    }) : () -> ()
    %barrier3A = arith.constant 0 : index
    tpu.barrier barrier_id(%barrier3A)
    "tpu.region"() ({
      %run_scoped3A = tpu.sem_alloc : memref<!tpu.dma_semaphore, #tpu.memory_space<semaphore_mem>>
      %dma_start3A_34 = arith.constant 0 : i32
      %dma_start3A_35 = arith.constant 0 : i32
      %dma_start3A_36 = tpu.memref_slice %arg3[%add3A, %dma_start3A_34, %dma_start3A_35] : memref<32x80x128xi32, #tpu.memory_space<hbm>> -> memref<1x40x128xi32, #tpu.memory_space<hbm>>
      %dma_start3A_37 = tpu.memref_squeeze %dma_start3A_36 : memref<1x40x128xi32, #tpu.memory_space<hbm>> -> memref<40x128xi32, #tpu.memory_space<hbm>>
      %dma_start3A_38 = arith.constant 0 : i32
      %dma_start3A_39 = arith.constant 0 : i32
      %dma_start3A_40 = tpu.memref_slice %arg3[%add3A, %dma_start3A_38, %dma_start3A_39] : memref<32x80x128xi32, #tpu.memory_space<hbm>> -> memref<1x40x128xi32, #tpu.memory_space<hbm>>
      %dma_start3A_41 = tpu.memref_squeeze %dma_start3A_40 : memref<1x40x128xi32, #tpu.memory_space<hbm>> -> memref<40x128xi32, #tpu.memory_space<hbm>>
      tpu.enqueue_dma source(%dma_start3A_41 : memref<40x128xi32, #tpu.memory_space<hbm>>) target(%arg7 : memref<40x128xi32, #tpu.memory_space<vmem>>) target_semaphore(%run_scoped3A : memref<!tpu.dma_semaphore, #tpu.memory_space<semaphore_mem>>)
      %dma_wait3A = arith.constant 0 : i32
      %dma_wait3A_42 = arith.constant 0 : i32
      %dma_wait3A_43 = tpu.memref_slice %arg3[%add3A, %dma_wait3A, %dma_wait3A_42] : memref<32x80x128xi32, #tpu.memory_space<hbm>> -> memref<1x40x128xi32, #tpu.memory_space<hbm>>
      %dma_wait3A_44 = tpu.memref_squeeze %dma_wait3A_43 : memref<1x40x128xi32, #tpu.memory_space<hbm>> -> memref<40x128xi32, #tpu.memory_space<hbm>>
      %dma_wait3A_45 = arith.constant 0 : i32
      %dma_wait3A_46 = arith.constant 0 : i32
      %dma_wait3A_47 = tpu.memref_slice %arg3[%add3A, %dma_wait3A_45, %dma_wait3A_46] : memref<32x80x128xi32, #tpu.memory_space<hbm>> -> memref<1x40x128xi32, #tpu.memory_space<hbm>>
      %dma_wait3A_48 = tpu.memref_squeeze %dma_wait3A_47 : memref<1x40x128xi32, #tpu.memory_space<hbm>> -> memref<40x128xi32, #tpu.memory_space<hbm>>
      tpu.wait_dma2 semaphore(%run_scoped3A : memref<!tpu.dma_semaphore, #tpu.memory_space<semaphore_mem>>) src(%dma_wait3A_48 : memref<40x128xi32, #tpu.memory_space<hbm>>) dst(%arg7 : memref<40x128xi32, #tpu.memory_space<vmem>>)
      tpu.yield
    }) : () -> ()
    "tpu.region"() ({
      %run_scoped3A = tpu.sem_alloc : memref<!tpu.dma_semaphore, #tpu.memory_space<semaphore_mem>>
      %dma_start3A_34 = arith.constant 0 : i32
      %dma_start3A_35 = arith.constant 0 : i32
      %dma_start3A_36 = tpu.memref_slice %arg4[%add3A, %dma_start3A_34, %dma_start3A_35] : memref<32x80x128xi32, #tpu.memory_space<hbm>> -> memref<1x40x128xi32, #tpu.memory_space<hbm>>
      %dma_start3A_37 = tpu.memref_squeeze %dma_start3A_36 : memref<1x40x128xi32, #tpu.memory_space<hbm>> -> memref<40x128xi32, #tpu.memory_space<hbm>>
      %dma_start3A_38 = arith.constant 0 : i32
      %dma_start3A_39 = arith.constant 0 : i32
      %dma_start3A_40 = tpu.memref_slice %arg4[%add3A, %dma_start3A_38, %dma_start3A_39] : memref<32x80x128xi32, #tpu.memory_space<hbm>> -> memref<1x40x128xi32, #tpu.memory_space<hbm>>
      %dma_start3A_41 = tpu.memref_squeeze %dma_start3A_40 : memref<1x40x128xi32, #tpu.memory_space<hbm>> -> memref<40x128xi32, #tpu.memory_space<hbm>>
      tpu.enqueue_dma source(%dma_start3A_41 : memref<40x128xi32, #tpu.memory_space<hbm>>) target(%arg8 : memref<40x128xi32, #tpu.memory_space<vmem>>) target_semaphore(%run_scoped3A : memref<!tpu.dma_semaphore, #tpu.memory_space<semaphore_mem>>)
      %dma_wait3A = arith.constant 0 : i32
      %dma_wait3A_42 = arith.constant 0 : i32
      %dma_wait3A_43 = tpu.memref_slice %arg4[%add3A, %dma_wait3A, %dma_wait3A_42] : memref<32x80x128xi32, #tpu.memory_space<hbm>> -> memref<1x40x128xi32, #tpu.memory_space<hbm>>
      %dma_wait3A_44 = tpu.memref_squeeze %dma_wait3A_43 : memref<1x40x128xi32, #tpu.memory_space<hbm>> -> memref<40x128xi32, #tpu.memory_space<hbm>>
      %dma_wait3A_45 = arith.constant 0 : i32
      %dma_wait3A_46 = arith.constant 0 : i32
      %dma_wait3A_47 = tpu.memref_slice %arg4[%add3A, %dma_wait3A_45, %dma_wait3A_46] : memref<32x80x128xi32, #tpu.memory_space<hbm>> -> memref<1x40x128xi32, #tpu.memory_space<hbm>>
      %dma_wait3A_48 = tpu.memref_squeeze %dma_wait3A_47 : memref<1x40x128xi32, #tpu.memory_space<hbm>> -> memref<40x128xi32, #tpu.memory_space<hbm>>
      tpu.wait_dma2 semaphore(%run_scoped3A : memref<!tpu.dma_semaphore, #tpu.memory_space<semaphore_mem>>) src(%dma_wait3A_48 : memref<40x128xi32, #tpu.memory_space<hbm>>) dst(%arg8 : memref<40x128xi32, #tpu.memory_space<vmem>>)
      tpu.yield
    }) : () -> ()
    %dma_start3A = arith.constant 0 : i32
    %dma_start3A_3 = arith.constant 0 : i32
    %dma_start3A_4 = tpu.memref_slice %arg7[%dma_start3A, %dma_start3A_3] : memref<40x128xi32, #tpu.memory_space<vmem>> -> memref<1x128xi32, #tpu.memory_space<vmem>>
    %dma_start3A_5 = tpu.memref_squeeze %dma_start3A_4 : memref<1x128xi32, #tpu.memory_space<vmem>> -> memref<128xi32, #tpu.memory_space<vmem>>
    %dma_start3A_6 = arith.constant 0 : i32
    %dma_start3A_7 = arith.constant 0 : i32
    %dma_start3A_8 = tpu.memref_slice %arg2[%dma_start3A_6, %dma_start3A_7] : memref<10000x128xf32, #tpu.memory_space<hbm>> -> memref<10000x128xf32, #tpu.memory_space<hbm>>
    tpu.enqueue_indirect_dma source(%dma_start3A_8 : memref<10000x128xf32, #tpu.memory_space<hbm>>) target(%arg9 : memref<128x128xf32, #tpu.memory_space<vmem>>) offsets(%dma_start3A_5 : memref<128xi32, #tpu.memory_space<vmem>>) semaphore(%arg11 : memref<!tpu.dma_semaphore, #tpu.memory_space<semaphore_mem>>)
    %scan3A = arith.constant 0 : i32
    %scan3A_9 = arith.constant 0 : i32
    %scan3A_10 = arith.constant 20 : i32
    %scan3A_11 = arith.addi %scan3A_9, %scan3A_10 : i32
    %scan3A_12 = arith.constant 1 : i32
    scf.for %scan3A_34 = %scan3A_9 to %scan3A_11 step %scan3A_12  : i32 {
      %mul3A_35 = arith.constant 2 : i32
      %mul3A_36 = arith.muli %mul3A_35, %scan3A_34 : i32
      %add3A_37 = arith.constant 1 : i32
      %add3A_38 = arith.addi %mul3A_36, %add3A_37 : i32
      %dma_start3A_39 = arith.constant 0 : i32
      %dma_start3A_40 = tpu.memref_slice %arg7[%add3A_38, %dma_start3A_39] : memref<40x128xi32, #tpu.memory_space<vmem>> -> memref<1x128xi32, #tpu.memory_space<vmem>>
      %dma_start3A_41 = tpu.memref_squeeze %dma_start3A_40 : memref<1x128xi32, #tpu.memory_space<vmem>> -> memref<128xi32, #tpu.memory_space<vmem>>
      %dma_start3A_42 = arith.constant 0 : i32
      %dma_start3A_43 = arith.constant 0 : i32
      %dma_start3A_44 = tpu.memref_slice %arg2[%dma_start3A_42, %dma_start3A_43] : memref<10000x128xf32, #tpu.memory_space<hbm>> -> memref<10000x128xf32, #tpu.memory_space<hbm>>
      tpu.enqueue_indirect_dma source(%dma_start3A_44 : memref<10000x128xf32, #tpu.memory_space<hbm>>) target(%arg10 : memref<128x128xf32, #tpu.memory_space<vmem>>) offsets(%dma_start3A_41 : memref<128xi32, #tpu.memory_space<vmem>>) semaphore(%arg12 : memref<!tpu.dma_semaphore, #tpu.memory_space<semaphore_mem>>)
      %dma_wait3A = arith.constant 0 : i32
      %dma_wait3A_45 = tpu.memref_slice %arg7[%mul3A_36, %dma_wait3A] : memref<40x128xi32, #tpu.memory_space<vmem>> -> memref<1x128xi32, #tpu.memory_space<vmem>>
      %dma_wait3A_46 = tpu.memref_squeeze %dma_wait3A_45 : memref<1x128xi32, #tpu.memory_space<vmem>> -> memref<128xi32, #tpu.memory_space<vmem>>
      %dma_wait3A_47 = arith.constant 0 : i32
      %dma_wait3A_48 = arith.constant 0 : i32
      %dma_wait3A_49 = tpu.memref_slice %arg2[%dma_wait3A_47, %dma_wait3A_48] : memref<10000x128xf32, #tpu.memory_space<hbm>> -> memref<10000x128xf32, #tpu.memory_space<hbm>>
      tpu.wait_indirect_dma semaphore(%arg11 : memref<!tpu.dma_semaphore, #tpu.memory_space<semaphore_mem>>) src(%dma_wait3A_49 : memref<10000x128xf32, #tpu.memory_space<hbm>>) dst(%arg9 : memref<128x128xf32, #tpu.memory_space<vmem>>)
      "tpu.region"() ({
        %run_scoped3A = tpu.sem_alloc : memref<!tpu.dma_semaphore, #tpu.memory_space<semaphore_mem>>
        %dma_start3A_67 = arith.constant 0 : i32
        %dma_start3A_68 = tpu.memref_slice %arg8[%mul3A_36, %dma_start3A_67] : memref<40x128xi32, #tpu.memory_space<vmem>> -> memref<1x128xi32, #tpu.memory_space<vmem>>
        %dma_start3A_69 = tpu.memref_squeeze %dma_start3A_68 : memref<1x128xi32, #tpu.memory_space<vmem>> -> memref<128xi32, #tpu.memory_space<vmem>>
        %dma_start3A_70 = arith.constant 0 : i32
        %dma_start3A_71 = arith.constant 0 : i32
        %dma_start3A_72 = tpu.memref_slice %arg13[%dma_start3A_70, %dma_start3A_71] : memref<10112x128xf32, #tpu.memory_space<vmem_shared>> -> memref<10112x128xf32, #tpu.memory_space<vmem_shared>>
        tpu.enqueue_indirect_dma source(%arg9 : memref<128x128xf32, #tpu.memory_space<vmem>>) target(%dma_start3A_72 : memref<10112x128xf32, #tpu.memory_space<vmem_shared>>) offsets(%dma_start3A_69 : memref<128xi32, #tpu.memory_space<vmem>>) semaphore(%run_scoped3A : memref<!tpu.dma_semaphore, #tpu.memory_space<semaphore_mem>>) {add = true}
        %dma_wait3A_73 = arith.constant 0 : i32
        %dma_wait3A_74 = tpu.memref_slice %arg8[%mul3A_36, %dma_wait3A_73] : memref<40x128xi32, #tpu.memory_space<vmem>> -> memref<1x128xi32, #tpu.memory_space<vmem>>
        %dma_wait3A_75 = tpu.memref_squeeze %dma_wait3A_74 : memref<1x128xi32, #tpu.memory_space<vmem>> -> memref<128xi32, #tpu.memory_space<vmem>>
        %dma_wait3A_76 = arith.constant 0 : i32
        %dma_wait3A_77 = arith.constant 0 : i32
        %dma_wait3A_78 = tpu.memref_slice %arg13[%dma_wait3A_76, %dma_wait3A_77] : memref<10112x128xf32, #tpu.memory_space<vmem_shared>> -> memref<10112x128xf32, #tpu.memory_space<vmem_shared>>
        tpu.wait_indirect_dma semaphore(%run_scoped3A : memref<!tpu.dma_semaphore, #tpu.memory_space<semaphore_mem>>) src(%arg9 : memref<128x128xf32, #tpu.memory_space<vmem>>) dst(%dma_wait3A_78 : memref<10112x128xf32, #tpu.memory_space<vmem_shared>>)
        tpu.yield
      }) : () -> ()
      %add3A_50 = arith.constant 2 : i32
      %add3A_51 = arith.addi %mul3A_36, %add3A_50 : i32
      %lt3A_52 = arith.constant 40 : i32
      %lt3A_53 = arith.cmpi slt, %add3A_51, %lt3A_52 : i32
      %convert_element_type3A_54 = arith.extui %lt3A_53 : i1 to i32
      %cond3A_55 = arith.constant 0 : i32
      %cond3A_56 = arith.cmpi ne, %convert_element_type3A_54, %cond3A_55 : i32
      scf.if %cond3A_56 {
        %add3A_67 = arith.constant 2 : i32
        %add3A_68 = arith.addi %mul3A_36, %add3A_67 : i32
        %dma_start3A_69 = arith.constant 0 : i32
        %dma_start3A_70 = tpu.memref_slice %arg7[%add3A_68, %dma_start3A_69] : memref<40x128xi32, #tpu.memory_space<vmem>> -> memref<1x128xi32, #tpu.memory_space<vmem>>
        %dma_start3A_71 = tpu.memref_squeeze %dma_start3A_70 : memref<1x128xi32, #tpu.memory_space<vmem>> -> memref<128xi32, #tpu.memory_space<vmem>>
        %dma_start3A_72 = arith.constant 0 : i32
        %dma_start3A_73 = arith.constant 0 : i32
        %dma_start3A_74 = tpu.memref_slice %arg2[%dma_start3A_72, %dma_start3A_73] : memref<10000x128xf32, #tpu.memory_space<hbm>> -> memref<10000x128xf32, #tpu.memory_space<hbm>>
        tpu.enqueue_indirect_dma source(%dma_start3A_74 : memref<10000x128xf32, #tpu.memory_space<hbm>>) target(%arg9 : memref<128x128xf32, #tpu.memory_space<vmem>>) offsets(%dma_start3A_71 : memref<128xi32, #tpu.memory_space<vmem>>) semaphore(%arg11 : memref<!tpu.dma_semaphore, #tpu.memory_space<semaphore_mem>>)
      } else {
      }
      %add3A_57 = arith.constant 1 : i32
      %add3A_58 = arith.addi %mul3A_36, %add3A_57 : i32
      %dma_wait3A_59 = arith.constant 0 : i32
      %dma_wait3A_60 = tpu.memref_slice %arg7[%add3A_58, %dma_wait3A_59] : memref<40x128xi32, #tpu.memory_space<vmem>> -> memref<1x128xi32, #tpu.memory_space<vmem>>
      %dma_wait3A_61 = tpu.memref_squeeze %dma_wait3A_60 : memref<1x128xi32, #tpu.memory_space<vmem>> -> memref<128xi32, #tpu.memory_space<vmem>>
      %dma_wait3A_62 = arith.constant 0 : i32
      %dma_wait3A_63 = arith.constant 0 : i32
      %dma_wait3A_64 = tpu.memref_slice %arg2[%dma_wait3A_62, %dma_wait3A_63] : memref<10000x128xf32, #tpu.memory_space<hbm>> -> memref<10000x128xf32, #tpu.memory_space<hbm>>
      tpu.wait_indirect_dma semaphore(%arg12 : memref<!tpu.dma_semaphore, #tpu.memory_space<semaphore_mem>>) src(%dma_wait3A_64 : memref<10000x128xf32, #tpu.memory_space<hbm>>) dst(%arg10 : memref<128x128xf32, #tpu.memory_space<vmem>>)
      %add3A_65 = arith.constant 1 : i32
      %add3A_66 = arith.addi %mul3A_36, %add3A_65 : i32
      "tpu.region"() ({
        %run_scoped3A = tpu.sem_alloc : memref<!tpu.dma_semaphore, #tpu.memory_space<semaphore_mem>>
        %dma_start3A_67 = arith.constant 0 : i32
        %dma_start3A_68 = tpu.memref_slice %arg8[%add3A_66, %dma_start3A_67] : memref<40x128xi32, #tpu.memory_space<vmem>> -> memref<1x128xi32, #tpu.memory_space<vmem>>
        %dma_start3A_69 = tpu.memref_squeeze %dma_start3A_68 : memref<1x128xi32, #tpu.memory_space<vmem>> -> memref<128xi32, #tpu.memory_space<vmem>>
        %dma_start3A_70 = arith.constant 0 : i32
        %dma_start3A_71 = arith.constant 0 : i32
        %dma_start3A_72 = tpu.memref_slice %arg13[%dma_start3A_70, %dma_start3A_71] : memref<10112x128xf32, #tpu.memory_space<vmem_shared>> -> memref<10112x128xf32, #tpu.memory_space<vmem_shared>>
        tpu.enqueue_indirect_dma source(%arg10 : memref<128x128xf32, #tpu.memory_space<vmem>>) target(%dma_start3A_72 : memref<10112x128xf32, #tpu.memory_space<vmem_shared>>) offsets(%dma_start3A_69 : memref<128xi32, #tpu.memory_space<vmem>>) semaphore(%run_scoped3A : memref<!tpu.dma_semaphore, #tpu.memory_space<semaphore_mem>>) {add = true}
        %dma_wait3A_73 = arith.constant 0 : i32
        %dma_wait3A_74 = tpu.memref_slice %arg8[%add3A_66, %dma_wait3A_73] : memref<40x128xi32, #tpu.memory_space<vmem>> -> memref<1x128xi32, #tpu.memory_space<vmem>>
        %dma_wait3A_75 = tpu.memref_squeeze %dma_wait3A_74 : memref<1x128xi32, #tpu.memory_space<vmem>> -> memref<128xi32, #tpu.memory_space<vmem>>
        %dma_wait3A_76 = arith.constant 0 : i32
        %dma_wait3A_77 = arith.constant 0 : i32
        %dma_wait3A_78 = tpu.memref_slice %arg13[%dma_wait3A_76, %dma_wait3A_77] : memref<10112x128xf32, #tpu.memory_space<vmem_shared>> -> memref<10112x128xf32, #tpu.memory_space<vmem_shared>>
        tpu.wait_indirect_dma semaphore(%run_scoped3A : memref<!tpu.dma_semaphore, #tpu.memory_space<semaphore_mem>>) src(%arg10 : memref<128x128xf32, #tpu.memory_space<vmem>>) dst(%dma_wait3A_78 : memref<10112x128xf32, #tpu.memory_space<vmem_shared>>)
        tpu.yield
      }) : () -> ()
    }
    %scan3A_13 = arith.constant 20 : i32
    "tpu.region"() ({
      %run_scoped3A = tpu.sem_alloc : memref<!tpu.dma_semaphore, #tpu.memory_space<semaphore_mem>>
      %dma_start3A_34 = arith.constant 40 : i32
      %dma_start3A_35 = arith.constant 0 : i32
      %dma_start3A_36 = tpu.memref_slice %arg3[%add3A, %dma_start3A_34, %dma_start3A_35] : memref<32x80x128xi32, #tpu.memory_space<hbm>> -> memref<1x40x128xi32, #tpu.memory_space<hbm>>
      %dma_start3A_37 = tpu.memref_squeeze %dma_start3A_36 : memref<1x40x128xi32, #tpu.memory_space<hbm>> -> memref<40x128xi32, #tpu.memory_space<hbm>>
      %dma_start3A_38 = arith.constant 40 : i32
      %dma_start3A_39 = arith.constant 0 : i32
      %dma_start3A_40 = tpu.memref_slice %arg3[%add3A, %dma_start3A_38, %dma_start3A_39] : memref<32x80x128xi32, #tpu.memory_space<hbm>> -> memref<1x40x128xi32, #tpu.memory_space<hbm>>
      %dma_start3A_41 = tpu.memref_squeeze %dma_start3A_40 : memref<1x40x128xi32, #tpu.memory_space<hbm>> -> memref<40x128xi32, #tpu.memory_space<hbm>>
      tpu.enqueue_dma source(%dma_start3A_41 : memref<40x128xi32, #tpu.memory_space<hbm>>) target(%arg7 : memref<40x128xi32, #tpu.memory_space<vmem>>) target_semaphore(%run_scoped3A : memref<!tpu.dma_semaphore, #tpu.memory_space<semaphore_mem>>)
      %dma_wait3A = arith.constant 40 : i32
      %dma_wait3A_42 = arith.constant 0 : i32
      %dma_wait3A_43 = tpu.memref_slice %arg3[%add3A, %dma_wait3A, %dma_wait3A_42] : memref<32x80x128xi32, #tpu.memory_space<hbm>> -> memref<1x40x128xi32, #tpu.memory_space<hbm>>
      %dma_wait3A_44 = tpu.memref_squeeze %dma_wait3A_43 : memref<1x40x128xi32, #tpu.memory_space<hbm>> -> memref<40x128xi32, #tpu.memory_space<hbm>>
      %dma_wait3A_45 = arith.constant 40 : i32
      %dma_wait3A_46 = arith.constant 0 : i32
      %dma_wait3A_47 = tpu.memref_slice %arg3[%add3A, %dma_wait3A_45, %dma_wait3A_46] : memref<32x80x128xi32, #tpu.memory_space<hbm>> -> memref<1x40x128xi32, #tpu.memory_space<hbm>>
      %dma_wait3A_48 = tpu.memref_squeeze %dma_wait3A_47 : memref<1x40x128xi32, #tpu.memory_space<hbm>> -> memref<40x128xi32, #tpu.memory_space<hbm>>
      tpu.wait_dma2 semaphore(%run_scoped3A : memref<!tpu.dma_semaphore, #tpu.memory_space<semaphore_mem>>) src(%dma_wait3A_48 : memref<40x128xi32, #tpu.memory_space<hbm>>) dst(%arg7 : memref<40x128xi32, #tpu.memory_space<vmem>>)
      tpu.yield
    }) : () -> ()
    "tpu.region"() ({
      %run_scoped3A = tpu.sem_alloc : memref<!tpu.dma_semaphore, #tpu.memory_space<semaphore_mem>>
      %dma_start3A_34 = arith.constant 40 : i32
      %dma_start3A_35 = arith.constant 0 : i32
      %dma_start3A_36 = tpu.memref_slice %arg4[%add3A, %dma_start3A_34, %dma_start3A_35] : memref<32x80x128xi32, #tpu.memory_space<hbm>> -> memref<1x40x128xi32, #tpu.memory_space<hbm>>
      %dma_start3A_37 = tpu.memref_squeeze %dma_start3A_36 : memref<1x40x128xi32, #tpu.memory_space<hbm>> -> memref<40x128xi32, #tpu.memory_space<hbm>>
      %dma_start3A_38 = arith.constant 40 : i32
      %dma_start3A_39 = arith.constant 0 : i32
      %dma_start3A_40 = tpu.memref_slice %arg4[%add3A, %dma_start3A_38, %dma_start3A_39] : memref<32x80x128xi32, #tpu.memory_space<hbm>> -> memref<1x40x128xi32, #tpu.memory_space<hbm>>
      %dma_start3A_41 = tpu.memref_squeeze %dma_start3A_40 : memref<1x40x128xi32, #tpu.memory_space<hbm>> -> memref<40x128xi32, #tpu.memory_space<hbm>>
      tpu.enqueue_dma source(%dma_start3A_41 : memref<40x128xi32, #tpu.memory_space<hbm>>) target(%arg8 : memref<40x128xi32, #tpu.memory_space<vmem>>) target_semaphore(%run_scoped3A : memref<!tpu.dma_semaphore, #tpu.memory_space<semaphore_mem>>)
      %dma_wait3A = arith.constant 40 : i32
      %dma_wait3A_42 = arith.constant 0 : i32
      %dma_wait3A_43 = tpu.memref_slice %arg4[%add3A, %dma_wait3A, %dma_wait3A_42] : memref<32x80x128xi32, #tpu.memory_space<hbm>> -> memref<1x40x128xi32, #tpu.memory_space<hbm>>
      %dma_wait3A_44 = tpu.memref_squeeze %dma_wait3A_43 : memref<1x40x128xi32, #tpu.memory_space<hbm>> -> memref<40x128xi32, #tpu.memory_space<hbm>>
      %dma_wait3A_45 = arith.constant 40 : i32
      %dma_wait3A_46 = arith.constant 0 : i32
      %dma_wait3A_47 = tpu.memref_slice %arg4[%add3A, %dma_wait3A_45, %dma_wait3A_46] : memref<32x80x128xi32, #tpu.memory_space<hbm>> -> memref<1x40x128xi32, #tpu.memory_space<hbm>>
      %dma_wait3A_48 = tpu.memref_squeeze %dma_wait3A_47 : memref<1x40x128xi32, #tpu.memory_space<hbm>> -> memref<40x128xi32, #tpu.memory_space<hbm>>
      tpu.wait_dma2 semaphore(%run_scoped3A : memref<!tpu.dma_semaphore, #tpu.memory_space<semaphore_mem>>) src(%dma_wait3A_48 : memref<40x128xi32, #tpu.memory_space<hbm>>) dst(%arg8 : memref<40x128xi32, #tpu.memory_space<vmem>>)
      tpu.yield
    }) : () -> ()
    %dma_start3A_14 = arith.constant 0 : i32
    %dma_start3A_15 = arith.constant 0 : i32
    %dma_start3A_16 = tpu.memref_slice %arg7[%dma_start3A_14, %dma_start3A_15] : memref<40x128xi32, #tpu.memory_space<vmem>> -> memref<1x128xi32, #tpu.memory_space<vmem>>
    %dma_start3A_17 = tpu.memref_squeeze %dma_start3A_16 : memref<1x128xi32, #tpu.memory_space<vmem>> -> memref<128xi32, #tpu.memory_space<vmem>>
    %dma_start3A_18 = arith.constant 0 : i32
    %dma_start3A_19 = arith.constant 0 : i32
    %dma_start3A_20 = tpu.memref_slice %arg2[%dma_start3A_18, %dma_start3A_19] : memref<10000x128xf32, #tpu.memory_space<hbm>> -> memref<10000x128xf32, #tpu.memory_space<hbm>>
    tpu.enqueue_indirect_dma source(%dma_start3A_20 : memref<10000x128xf32, #tpu.memory_space<hbm>>) target(%arg9 : memref<128x128xf32, #tpu.memory_space<vmem>>) offsets(%dma_start3A_17 : memref<128xi32, #tpu.memory_space<vmem>>) semaphore(%arg11 : memref<!tpu.dma_semaphore, #tpu.memory_space<semaphore_mem>>)
    %scan3A_21 = arith.constant 0 : i32
    %scan3A_22 = arith.constant 0 : i32
    %scan3A_23 = arith.constant 20 : i32
    %scan3A_24 = arith.addi %scan3A_22, %scan3A_23 : i32
    %scan3A_25 = arith.constant 1 : i32
    scf.for %scan3A_34 = %scan3A_22 to %scan3A_24 step %scan3A_25  : i32 {
      %mul3A_35 = arith.constant 2 : i32
      %mul3A_36 = arith.muli %mul3A_35, %scan3A_34 : i32
      %add3A_37 = arith.constant 1 : i32
      %add3A_38 = arith.addi %mul3A_36, %add3A_37 : i32
      %dma_start3A_39 = arith.constant 0 : i32
      %dma_start3A_40 = tpu.memref_slice %arg7[%add3A_38, %dma_start3A_39] : memref<40x128xi32, #tpu.memory_space<vmem>> -> memref<1x128xi32, #tpu.memory_space<vmem>>
      %dma_start3A_41 = tpu.memref_squeeze %dma_start3A_40 : memref<1x128xi32, #tpu.memory_space<vmem>> -> memref<128xi32, #tpu.memory_space<vmem>>
      %dma_start3A_42 = arith.constant 0 : i32
      %dma_start3A_43 = arith.constant 0 : i32
      %dma_start3A_44 = tpu.memref_slice %arg2[%dma_start3A_42, %dma_start3A_43] : memref<10000x128xf32, #tpu.memory_space<hbm>> -> memref<10000x128xf32, #tpu.memory_space<hbm>>
      tpu.enqueue_indirect_dma source(%dma_start3A_44 : memref<10000x128xf32, #tpu.memory_space<hbm>>) target(%arg10 : memref<128x128xf32, #tpu.memory_space<vmem>>) offsets(%dma_start3A_41 : memref<128xi32, #tpu.memory_space<vmem>>) semaphore(%arg12 : memref<!tpu.dma_semaphore, #tpu.memory_space<semaphore_mem>>)
      %dma_wait3A = arith.constant 0 : i32
      %dma_wait3A_45 = tpu.memref_slice %arg7[%mul3A_36, %dma_wait3A] : memref<40x128xi32, #tpu.memory_space<vmem>> -> memref<1x128xi32, #tpu.memory_space<vmem>>
      %dma_wait3A_46 = tpu.memref_squeeze %dma_wait3A_45 : memref<1x128xi32, #tpu.memory_space<vmem>> -> memref<128xi32, #tpu.memory_space<vmem>>
      %dma_wait3A_47 = arith.constant 0 : i32
      %dma_wait3A_48 = arith.constant 0 : i32
      %dma_wait3A_49 = tpu.memref_slice %arg2[%dma_wait3A_47, %dma_wait3A_48] : memref<10000x128xf32, #tpu.memory_space<hbm>> -> memref<10000x128xf32, #tpu.memory_space<hbm>>
      tpu.wait_indirect_dma semaphore(%arg11 : memref<!tpu.dma_semaphore, #tpu.memory_space<semaphore_mem>>) src(%dma_wait3A_49 : memref<10000x128xf32, #tpu.memory_space<hbm>>) dst(%arg9 : memref<128x128xf32, #tpu.memory_space<vmem>>)
      "tpu.region"() ({
        %run_scoped3A = tpu.sem_alloc : memref<!tpu.dma_semaphore, #tpu.memory_space<semaphore_mem>>
        %dma_start3A_67 = arith.constant 0 : i32
        %dma_start3A_68 = tpu.memref_slice %arg8[%mul3A_36, %dma_start3A_67] : memref<40x128xi32, #tpu.memory_space<vmem>> -> memref<1x128xi32, #tpu.memory_space<vmem>>
        %dma_start3A_69 = tpu.memref_squeeze %dma_start3A_68 : memref<1x128xi32, #tpu.memory_space<vmem>> -> memref<128xi32, #tpu.memory_space<vmem>>
        %dma_start3A_70 = arith.constant 0 : i32
        %dma_start3A_71 = arith.constant 0 : i32
        %dma_start3A_72 = tpu.memref_slice %arg13[%dma_start3A_70, %dma_start3A_71] : memref<10112x128xf32, #tpu.memory_space<vmem_shared>> -> memref<10112x128xf32, #tpu.memory_space<vmem_shared>>
        tpu.enqueue_indirect_dma source(%arg9 : memref<128x128xf32, #tpu.memory_space<vmem>>) target(%dma_start3A_72 : memref<10112x128xf32, #tpu.memory_space<vmem_shared>>) offsets(%dma_start3A_69 : memref<128xi32, #tpu.memory_space<vmem>>) semaphore(%run_scoped3A : memref<!tpu.dma_semaphore, #tpu.memory_space<semaphore_mem>>) {add = true}
        %dma_wait3A_73 = arith.constant 0 : i32
        %dma_wait3A_74 = tpu.memref_slice %arg8[%mul3A_36, %dma_wait3A_73] : memref<40x128xi32, #tpu.memory_space<vmem>> -> memref<1x128xi32, #tpu.memory_space<vmem>>
        %dma_wait3A_75 = tpu.memref_squeeze %dma_wait3A_74 : memref<1x128xi32, #tpu.memory_space<vmem>> -> memref<128xi32, #tpu.memory_space<vmem>>
        %dma_wait3A_76 = arith.constant 0 : i32
        %dma_wait3A_77 = arith.constant 0 : i32
        %dma_wait3A_78 = tpu.memref_slice %arg13[%dma_wait3A_76, %dma_wait3A_77] : memref<10112x128xf32, #tpu.memory_space<vmem_shared>> -> memref<10112x128xf32, #tpu.memory_space<vmem_shared>>
        tpu.wait_indirect_dma semaphore(%run_scoped3A : memref<!tpu.dma_semaphore, #tpu.memory_space<semaphore_mem>>) src(%arg9 : memref<128x128xf32, #tpu.memory_space<vmem>>) dst(%dma_wait3A_78 : memref<10112x128xf32, #tpu.memory_space<vmem_shared>>)
        tpu.yield
      }) : () -> ()
      %add3A_50 = arith.constant 2 : i32
      %add3A_51 = arith.addi %mul3A_36, %add3A_50 : i32
      %lt3A_52 = arith.constant 40 : i32
      %lt3A_53 = arith.cmpi slt, %add3A_51, %lt3A_52 : i32
      %convert_element_type3A_54 = arith.extui %lt3A_53 : i1 to i32
      %cond3A_55 = arith.constant 0 : i32
      %cond3A_56 = arith.cmpi ne, %convert_element_type3A_54, %cond3A_55 : i32
      scf.if %cond3A_56 {
        %add3A_67 = arith.constant 2 : i32
        %add3A_68 = arith.addi %mul3A_36, %add3A_67 : i32
        %dma_start3A_69 = arith.constant 0 : i32
        %dma_start3A_70 = tpu.memref_slice %arg7[%add3A_68, %dma_start3A_69] : memref<40x128xi32, #tpu.memory_space<vmem>> -> memref<1x128xi32, #tpu.memory_space<vmem>>
        %dma_start3A_71 = tpu.memref_squeeze %dma_start3A_70 : memref<1x128xi32, #tpu.memory_space<vmem>> -> memref<128xi32, #tpu.memory_space<vmem>>
        %dma_start3A_72 = arith.constant 0 : i32
        %dma_start3A_73 = arith.constant 0 : i32
        %dma_start3A_74 = tpu.memref_slice %arg2[%dma_start3A_72, %dma_start3A_73] : memref<10000x128xf32, #tpu.memory_space<hbm>> -> memref<10000x128xf32, #tpu.memory_space<hbm>>
        tpu.enqueue_indirect_dma source(%dma_start3A_74 : memref<10000x128xf32, #tpu.memory_space<hbm>>) target(%arg9 : memref<128x128xf32, #tpu.memory_space<vmem>>) offsets(%dma_start3A_71 : memref<128xi32, #tpu.memory_space<vmem>>) semaphore(%arg11 : memref<!tpu.dma_semaphore, #tpu.memory_space<semaphore_mem>>)
      } else {
      }
      %add3A_57 = arith.constant 1 : i32
      %add3A_58 = arith.addi %mul3A_36, %add3A_57 : i32
      %dma_wait3A_59 = arith.constant 0 : i32
      %dma_wait3A_60 = tpu.memref_slice %arg7[%add3A_58, %dma_wait3A_59] : memref<40x128xi32, #tpu.memory_space<vmem>> -> memref<1x128xi32, #tpu.memory_space<vmem>>
      %dma_wait3A_61 = tpu.memref_squeeze %dma_wait3A_60 : memref<1x128xi32, #tpu.memory_space<vmem>> -> memref<128xi32, #tpu.memory_space<vmem>>
      %dma_wait3A_62 = arith.constant 0 : i32
      %dma_wait3A_63 = arith.constant 0 : i32
      %dma_wait3A_64 = tpu.memref_slice %arg2[%dma_wait3A_62, %dma_wait3A_63] : memref<10000x128xf32, #tpu.memory_space<hbm>> -> memref<10000x128xf32, #tpu.memory_space<hbm>>
      tpu.wait_indirect_dma semaphore(%arg12 : memref<!tpu.dma_semaphore, #tpu.memory_space<semaphore_mem>>) src(%dma_wait3A_64 : memref<10000x128xf32, #tpu.memory_space<hbm>>) dst(%arg10 : memref<128x128xf32, #tpu.memory_space<vmem>>)
      %add3A_65 = arith.constant 1 : i32
      %add3A_66 = arith.addi %mul3A_36, %add3A_65 : i32
      "tpu.region"() ({
        %run_scoped3A = tpu.sem_alloc : memref<!tpu.dma_semaphore, #tpu.memory_space<semaphore_mem>>
        %dma_start3A_67 = arith.constant 0 : i32
        %dma_start3A_68 = tpu.memref_slice %arg8[%add3A_66, %dma_start3A_67] : memref<40x128xi32, #tpu.memory_space<vmem>> -> memref<1x128xi32, #tpu.memory_space<vmem>>
        %dma_start3A_69 = tpu.memref_squeeze %dma_start3A_68 : memref<1x128xi32, #tpu.memory_space<vmem>> -> memref<128xi32, #tpu.memory_space<vmem>>
        %dma_start3A_70 = arith.constant 0 : i32
        %dma_start3A_71 = arith.constant 0 : i32
        %dma_start3A_72 = tpu.memref_slice %arg13[%dma_start3A_70, %dma_start3A_71] : memref<10112x128xf32, #tpu.memory_space<vmem_shared>> -> memref<10112x128xf32, #tpu.memory_space<vmem_shared>>
        tpu.enqueue_indirect_dma source(%arg10 : memref<128x128xf32, #tpu.memory_space<vmem>>) target(%dma_start3A_72 : memref<10112x128xf32, #tpu.memory_space<vmem_shared>>) offsets(%dma_start3A_69 : memref<128xi32, #tpu.memory_space<vmem>>) semaphore(%run_scoped3A : memref<!tpu.dma_semaphore, #tpu.memory_space<semaphore_mem>>) {add = true}
        %dma_wait3A_73 = arith.constant 0 : i32
        %dma_wait3A_74 = tpu.memref_slice %arg8[%add3A_66, %dma_wait3A_73] : memref<40x128xi32, #tpu.memory_space<vmem>> -> memref<1x128xi32, #tpu.memory_space<vmem>>
        %dma_wait3A_75 = tpu.memref_squeeze %dma_wait3A_74 : memref<1x128xi32, #tpu.memory_space<vmem>> -> memref<128xi32, #tpu.memory_space<vmem>>
        %dma_wait3A_76 = arith.constant 0 : i32
        %dma_wait3A_77 = arith.constant 0 : i32
        %dma_wait3A_78 = tpu.memref_slice %arg13[%dma_wait3A_76, %dma_wait3A_77] : memref<10112x128xf32, #tpu.memory_space<vmem_shared>> -> memref<10112x128xf32, #tpu.memory_space<vmem_shared>>
        tpu.wait_indirect_dma semaphore(%run_scoped3A : memref<!tpu.dma_semaphore, #tpu.memory_space<semaphore_mem>>) src(%arg10 : memref<128x128xf32, #tpu.memory_space<vmem>>) dst(%dma_wait3A_78 : memref<10112x128xf32, #tpu.memory_space<vmem_shared>>)
        tpu.yield
      }) : () -> ()
    }
    %scan3A_26 = arith.constant 20 : i32
    %barrier3A_27 = arith.constant 0 : index
    tpu.barrier barrier_id(%barrier3A_27)
    %lt3A = arith.constant 15 : i32
    %lt3A_28 = arith.cmpi slt, %arg1, %lt3A : i32
    %convert_element_type3A = arith.extui %lt3A_28 : i1 to i32
    %cond3A = arith.constant 0 : i32
    %cond3A_29 = arith.cmpi ne, %convert_element_type3A, %cond3A : i32
    scf.if %cond3A_29 {
      %mul3A_34 = arith.constant 632 : i32
      %mul3A_35 = arith.muli %arg1, %mul3A_34 : i32
      %mul3A_36 = arith.constant 10000 : i32
      %mul3A_37 = arith.muli %arg0, %mul3A_36 : i32
      %mul3A_38 = arith.constant 632 : i32
      %mul3A_39 = arith.muli %arg1, %mul3A_38 : i32
      %add3A_40 = arith.addi %mul3A_37, %mul3A_39 : i32
      "tpu.region"() ({
        %run_scoped3A = tpu.sem_alloc : memref<!tpu.dma_semaphore, #tpu.memory_space<semaphore_mem>>
        %dma_start3A_41 = arith.constant 0 : i32
        %dma_start3A_42 = tpu.memref_slice %arg6[%add3A_40, %dma_start3A_41] : memref<20000x128xf32, #tpu.memory_space<hbm>> -> memref<632x128xf32, #tpu.memory_space<hbm>>
        %dma_start3A_43 = arith.constant 0 : i32
        %dma_start3A_44 = tpu.memref_slice %arg13[%mul3A_35, %dma_start3A_43] : memref<10112x128xf32, #tpu.memory_space<vmem_shared>> -> memref<632x128xf32, #tpu.memory_space<vmem_shared>>
        tpu.enqueue_dma source(%dma_start3A_44 : memref<632x128xf32, #tpu.memory_space<vmem_shared>>) target(%dma_start3A_42 : memref<632x128xf32, #tpu.memory_space<hbm>>) target_semaphore(%run_scoped3A : memref<!tpu.dma_semaphore, #tpu.memory_space<semaphore_mem>>)
        %dma_wait3A = arith.constant 0 : i32
        %dma_wait3A_45 = tpu.memref_slice %arg6[%add3A_40, %dma_wait3A] : memref<20000x128xf32, #tpu.memory_space<hbm>> -> memref<632x128xf32, #tpu.memory_space<hbm>>
        %dma_wait3A_46 = arith.constant 0 : i32
        %dma_wait3A_47 = tpu.memref_slice %arg13[%mul3A_35, %dma_wait3A_46] : memref<10112x128xf32, #tpu.memory_space<vmem_shared>> -> memref<632x128xf32, #tpu.memory_space<vmem_shared>>
        tpu.wait_dma2 semaphore(%run_scoped3A : memref<!tpu.dma_semaphore, #tpu.memory_space<semaphore_mem>>) src(%dma_wait3A_47 : memref<632x128xf32, #tpu.memory_space<vmem_shared>>) dst(%dma_wait3A_45 : memref<632x128xf32, #tpu.memory_space<hbm>>)
        tpu.yield
      }) : () -> ()
    } else {
    }
    %eq3A = arith.constant 15 : i32
    %eq3A_30 = arith.cmpi eq, %arg1, %eq3A : i32
    %convert_element_type3A_31 = arith.extui %eq3A_30 : i1 to i32
    %cond3A_32 = arith.constant 0 : i32
    %cond3A_33 = arith.cmpi ne, %convert_element_type3A_31, %cond3A_32 : i32
    scf.if %cond3A_33 {
      %mul3A_34 = arith.constant 632 : i32
      %mul3A_35 = arith.muli %arg1, %mul3A_34 : i32
      %mul3A_36 = arith.constant 10000 : i32
      %mul3A_37 = arith.muli %arg0, %mul3A_36 : i32
      %mul3A_38 = arith.constant 632 : i32
      %mul3A_39 = arith.muli %arg1, %mul3A_38 : i32
      %add3A_40 = arith.addi %mul3A_37, %mul3A_39 : i32
      "tpu.region"() ({
        %run_scoped3A = tpu.sem_alloc : memref<!tpu.dma_semaphore, #tpu.memory_space<semaphore_mem>>
        %dma_start3A_41 = arith.constant 0 : i32
        %dma_start3A_42 = tpu.memref_slice %arg6[%add3A_40, %dma_start3A_41] : memref<20000x128xf32, #tpu.memory_space<hbm>> -> memref<520x128xf32, #tpu.memory_space<hbm>>
        %dma_start3A_43 = arith.constant 0 : i32
        %dma_start3A_44 = tpu.memref_slice %arg13[%mul3A_35, %dma_start3A_43] : memref<10112x128xf32, #tpu.memory_space<vmem_shared>> -> memref<520x128xf32, #tpu.memory_space<vmem_shared>>
        tpu.enqueue_dma source(%dma_start3A_44 : memref<520x128xf32, #tpu.memory_space<vmem_shared>>) target(%dma_start3A_42 : memref<520x128xf32, #tpu.memory_space<hbm>>) target_semaphore(%run_scoped3A : memref<!tpu.dma_semaphore, #tpu.memory_space<semaphore_mem>>)
        %dma_wait3A = arith.constant 0 : i32
        %dma_wait3A_45 = tpu.memref_slice %arg6[%add3A_40, %dma_wait3A] : memref<20000x128xf32, #tpu.memory_space<hbm>> -> memref<520x128xf32, #tpu.memory_space<hbm>>
        %dma_wait3A_46 = arith.constant 0 : i32
        %dma_wait3A_47 = tpu.memref_slice %arg13[%mul3A_35, %dma_wait3A_46] : memref<10112x128xf32, #tpu.memory_space<vmem_shared>> -> memref<520x128xf32, #tpu.memory_space<vmem_shared>>
        tpu.wait_dma2 semaphore(%run_scoped3A : memref<!tpu.dma_semaphore, #tpu.memory_space<semaphore_mem>>) src(%dma_wait3A_47 : memref<520x128xf32, #tpu.memory_space<vmem_shared>>) dst(%dma_wait3A_45 : memref<520x128xf32, #tpu.memory_space<hbm>>)
        tpu.yield
      }) : () -> ()
    } else {
    }
    return
  }
}

#map = affine_map<(d0, d1) -> (0, 0)>
#map1 = affine_map<(d0, d1) -> (0, 0, 0)>
module attributes {stable_mosaic.version = 14 : i64} {
  func.func @_scat_body(%arg0: i32, %arg1: i32, %arg2: memref<10000x128xf32, #tpu.memory_space<hbm>>, %arg3: memref<32x80x128xi32, #tpu.memory_space<hbm>>, %arg4: memref<32x80x128xi32, #tpu.memory_space<hbm>>, %arg5: memref<632x128xf32, #tpu.memory_space<hbm>>, %arg6: memref<20000x128xf32, #tpu.memory_space<hbm>>, %arg7: memref<40x128xi32, #tpu.memory_space<vmem>>, %arg8: memref<40x128xi32, #tpu.memory_space<vmem>>, %arg9: memref<128x128xf32, #tpu.memory_space<vmem>>, %arg10: memref<128x128xf32, #tpu.memory_space<vmem>>, %arg11: memref<!tpu.dma_semaphore, #tpu.memory_space<semaphore_mem>>, %arg12: memref<!tpu.dma_semaphore, #tpu.memory_space<semaphore_mem>>, %arg13: memref<10112x128xf32, #tpu.memory_space<vmem_shared>>) attributes {dimension_semantics = [#tpu.dimension_semantics<core_parallel>, #tpu.dimension_semantics<subcore_parallel>], iteration_bounds = array<i64: 2, 16>, scalar_prefetch = 0 : i64, scratch_operands = 7 : i64, tpu.core_type = #tpu.core_type<sc_vector_subcore>, window_params = [{transform_indices = #map}, {transform_indices = #map1}, {transform_indices = #map1}, {transform_indices = #map}, {transform_indices = #map}]} {
    %mul3A = arith.constant 16 : i32
    %mul3A_0 = arith.muli %arg0, %mul3A : i32
    %add3A = arith.addi %mul3A_0, %arg1 : i32
    %mul3A_1 = arith.constant 632 : i32
    %mul3A_2 = arith.muli %arg1, %mul3A_1 : i32
    "tpu.region"() ({
      %run_scoped3A = tpu.sem_alloc : memref<!tpu.dma_semaphore, #tpu.memory_space<semaphore_mem>>
      %dma_start3A_34 = arith.constant 0 : i32
      %dma_start3A_35 = tpu.memref_slice %arg13[%mul3A_2, %dma_start3A_34] : memref<10112x128xf32, #tpu.memory_space<vmem_shared>> -> memref<632x128xf32, #tpu.memory_space<vmem_shared>>
      tpu.enqueue_dma source(%arg5 : memref<632x128xf32, #tpu.memory_space<hbm>>) target(%dma_start3A_35 : memref<632x128xf32, #tpu.memory_space<vmem_shared>>) target_semaphore(%run_scoped3A : memref<!tpu.dma_semaphore, #tpu.memory_space<semaphore_mem>>)
      %dma_wait3A = arith.constant 0 : i32
      %dma_wait3A_36 = tpu.memref_slice %arg13[%mul3A_2, %dma_wait3A] : memref<10112x128xf32, #tpu.memory_space<vmem_shared>> -> memref<632x128xf32, #tpu.memory_space<vmem_shared>>
      tpu.wait_dma2 semaphore(%run_scoped3A : memref<!tpu.dma_semaphore, #tpu.memory_space<semaphore_mem>>) src(%arg5 : memref<632x128xf32, #tpu.memory_space<hbm>>) dst(%dma_wait3A_36 : memref<632x128xf32, #tpu.memory_space<vmem_shared>>)
      tpu.yield
    }) : () -> ()
    %barrier3A = arith.constant 0 : index
    tpu.barrier barrier_id(%barrier3A)
    "tpu.region"() ({
      %run_scoped3A = tpu.sem_alloc : memref<!tpu.dma_semaphore, #tpu.memory_space<semaphore_mem>>
      %dma_start3A_34 = arith.constant 0 : i32
      %dma_start3A_35 = arith.constant 0 : i32
      %dma_start3A_36 = tpu.memref_slice %arg3[%add3A, %dma_start3A_34, %dma_start3A_35] : memref<32x80x128xi32, #tpu.memory_space<hbm>> -> memref<1x40x128xi32, #tpu.memory_space<hbm>>
      %dma_start3A_37 = tpu.memref_squeeze %dma_start3A_36 : memref<1x40x128xi32, #tpu.memory_space<hbm>> -> memref<40x128xi32, #tpu.memory_space<hbm>>
      %dma_start3A_38 = arith.constant 0 : i32
      %dma_start3A_39 = arith.constant 0 : i32
      %dma_start3A_40 = tpu.memref_slice %arg3[%add3A, %dma_start3A_38, %dma_start3A_39] : memref<32x80x128xi32, #tpu.memory_space<hbm>> -> memref<1x40x128xi32, #tpu.memory_space<hbm>>
      %dma_start3A_41 = tpu.memref_squeeze %dma_start3A_40 : memref<1x40x128xi32, #tpu.memory_space<hbm>> -> memref<40x128xi32, #tpu.memory_space<hbm>>
      tpu.enqueue_dma source(%dma_start3A_41 : memref<40x128xi32, #tpu.memory_space<hbm>>) target(%arg7 : memref<40x128xi32, #tpu.memory_space<vmem>>) target_semaphore(%run_scoped3A : memref<!tpu.dma_semaphore, #tpu.memory_space<semaphore_mem>>)
      %dma_wait3A = arith.constant 0 : i32
      %dma_wait3A_42 = arith.constant 0 : i32
      %dma_wait3A_43 = tpu.memref_slice %arg3[%add3A, %dma_wait3A, %dma_wait3A_42] : memref<32x80x128xi32, #tpu.memory_space<hbm>> -> memref<1x40x128xi32, #tpu.memory_space<hbm>>
      %dma_wait3A_44 = tpu.memref_squeeze %dma_wait3A_43 : memref<1x40x128xi32, #tpu.memory_space<hbm>> -> memref<40x128xi32, #tpu.memory_space<hbm>>
      %dma_wait3A_45 = arith.constant 0 : i32
      %dma_wait3A_46 = arith.constant 0 : i32
      %dma_wait3A_47 = tpu.memref_slice %arg3[%add3A, %dma_wait3A_45, %dma_wait3A_46] : memref<32x80x128xi32, #tpu.memory_space<hbm>> -> memref<1x40x128xi32, #tpu.memory_space<hbm>>
      %dma_wait3A_48 = tpu.memref_squeeze %dma_wait3A_47 : memref<1x40x128xi32, #tpu.memory_space<hbm>> -> memref<40x128xi32, #tpu.memory_space<hbm>>
      tpu.wait_dma2 semaphore(%run_scoped3A : memref<!tpu.dma_semaphore, #tpu.memory_space<semaphore_mem>>) src(%dma_wait3A_48 : memref<40x128xi32, #tpu.memory_space<hbm>>) dst(%arg7 : memref<40x128xi32, #tpu.memory_space<vmem>>)
      tpu.yield
    }) : () -> ()
    "tpu.region"() ({
      %run_scoped3A = tpu.sem_alloc : memref<!tpu.dma_semaphore, #tpu.memory_space<semaphore_mem>>
      %dma_start3A_34 = arith.constant 0 : i32
      %dma_start3A_35 = arith.constant 0 : i32
      %dma_start3A_36 = tpu.memref_slice %arg4[%add3A, %dma_start3A_34, %dma_start3A_35] : memref<32x80x128xi32, #tpu.memory_space<hbm>> -> memref<1x40x128xi32, #tpu.memory_space<hbm>>
      %dma_start3A_37 = tpu.memref_squeeze %dma_start3A_36 : memref<1x40x128xi32, #tpu.memory_space<hbm>> -> memref<40x128xi32, #tpu.memory_space<hbm>>
      %dma_start3A_38 = arith.constant 0 : i32
      %dma_start3A_39 = arith.constant 0 : i32
      %dma_start3A_40 = tpu.memref_slice %arg4[%add3A, %dma_start3A_38, %dma_start3A_39] : memref<32x80x128xi32, #tpu.memory_space<hbm>> -> memref<1x40x128xi32, #tpu.memory_space<hbm>>
      %dma_start3A_41 = tpu.memref_squeeze %dma_start3A_40 : memref<1x40x128xi32, #tpu.memory_space<hbm>> -> memref<40x128xi32, #tpu.memory_space<hbm>>
      tpu.enqueue_dma source(%dma_start3A_41 : memref<40x128xi32, #tpu.memory_space<hbm>>) target(%arg8 : memref<40x128xi32, #tpu.memory_space<vmem>>) target_semaphore(%run_scoped3A : memref<!tpu.dma_semaphore, #tpu.memory_space<semaphore_mem>>)
      %dma_wait3A = arith.constant 0 : i32
      %dma_wait3A_42 = arith.constant 0 : i32
      %dma_wait3A_43 = tpu.memref_slice %arg4[%add3A, %dma_wait3A, %dma_wait3A_42] : memref<32x80x128xi32, #tpu.memory_space<hbm>> -> memref<1x40x128xi32, #tpu.memory_space<hbm>>
      %dma_wait3A_44 = tpu.memref_squeeze %dma_wait3A_43 : memref<1x40x128xi32, #tpu.memory_space<hbm>> -> memref<40x128xi32, #tpu.memory_space<hbm>>
      %dma_wait3A_45 = arith.constant 0 : i32
      %dma_wait3A_46 = arith.constant 0 : i32
      %dma_wait3A_47 = tpu.memref_slice %arg4[%add3A, %dma_wait3A_45, %dma_wait3A_46] : memref<32x80x128xi32, #tpu.memory_space<hbm>> -> memref<1x40x128xi32, #tpu.memory_space<hbm>>
      %dma_wait3A_48 = tpu.memref_squeeze %dma_wait3A_47 : memref<1x40x128xi32, #tpu.memory_space<hbm>> -> memref<40x128xi32, #tpu.memory_space<hbm>>
      tpu.wait_dma2 semaphore(%run_scoped3A : memref<!tpu.dma_semaphore, #tpu.memory_space<semaphore_mem>>) src(%dma_wait3A_48 : memref<40x128xi32, #tpu.memory_space<hbm>>) dst(%arg8 : memref<40x128xi32, #tpu.memory_space<vmem>>)
      tpu.yield
    }) : () -> ()
    %dma_start3A = arith.constant 0 : i32
    %dma_start3A_3 = arith.constant 0 : i32
    %dma_start3A_4 = tpu.memref_slice %arg7[%dma_start3A, %dma_start3A_3] : memref<40x128xi32, #tpu.memory_space<vmem>> -> memref<1x128xi32, #tpu.memory_space<vmem>>
    %dma_start3A_5 = tpu.memref_squeeze %dma_start3A_4 : memref<1x128xi32, #tpu.memory_space<vmem>> -> memref<128xi32, #tpu.memory_space<vmem>>
    %dma_start3A_6 = arith.constant 0 : i32
    %dma_start3A_7 = arith.constant 0 : i32
    %dma_start3A_8 = tpu.memref_slice %arg2[%dma_start3A_6, %dma_start3A_7] : memref<10000x128xf32, #tpu.memory_space<hbm>> -> memref<10000x128xf32, #tpu.memory_space<hbm>>
    tpu.enqueue_indirect_dma source(%dma_start3A_8 : memref<10000x128xf32, #tpu.memory_space<hbm>>) target(%arg9 : memref<128x128xf32, #tpu.memory_space<vmem>>) offsets(%dma_start3A_5 : memref<128xi32, #tpu.memory_space<vmem>>) semaphore(%arg11 : memref<!tpu.dma_semaphore, #tpu.memory_space<semaphore_mem>>)
    %scan3A = arith.constant 0 : i32
    %scan3A_9 = arith.constant 0 : i32
    %scan3A_10 = arith.constant 20 : i32
    %scan3A_11 = arith.addi %scan3A_9, %scan3A_10 : i32
    %scan3A_12 = arith.constant 1 : i32
    scf.for %scan3A_34 = %scan3A_9 to %scan3A_11 step %scan3A_12  : i32 {
      %mul3A_35 = arith.constant 2 : i32
      %mul3A_36 = arith.muli %mul3A_35, %scan3A_34 : i32
      %add3A_37 = arith.constant 1 : i32
      %add3A_38 = arith.addi %mul3A_36, %add3A_37 : i32
      %dma_start3A_39 = arith.constant 0 : i32
      %dma_start3A_40 = tpu.memref_slice %arg7[%add3A_38, %dma_start3A_39] : memref<40x128xi32, #tpu.memory_space<vmem>> -> memref<1x128xi32, #tpu.memory_space<vmem>>
      %dma_start3A_41 = tpu.memref_squeeze %dma_start3A_40 : memref<1x128xi32, #tpu.memory_space<vmem>> -> memref<128xi32, #tpu.memory_space<vmem>>
      %dma_start3A_42 = arith.constant 0 : i32
      %dma_start3A_43 = arith.constant 0 : i32
      %dma_start3A_44 = tpu.memref_slice %arg2[%dma_start3A_42, %dma_start3A_43] : memref<10000x128xf32, #tpu.memory_space<hbm>> -> memref<10000x128xf32, #tpu.memory_space<hbm>>
      tpu.enqueue_indirect_dma source(%dma_start3A_44 : memref<10000x128xf32, #tpu.memory_space<hbm>>) target(%arg10 : memref<128x128xf32, #tpu.memory_space<vmem>>) offsets(%dma_start3A_41 : memref<128xi32, #tpu.memory_space<vmem>>) semaphore(%arg12 : memref<!tpu.dma_semaphore, #tpu.memory_space<semaphore_mem>>)
      %dma_wait3A = arith.constant 0 : i32
      %dma_wait3A_45 = tpu.memref_slice %arg7[%mul3A_36, %dma_wait3A] : memref<40x128xi32, #tpu.memory_space<vmem>> -> memref<1x128xi32, #tpu.memory_space<vmem>>
      %dma_wait3A_46 = tpu.memref_squeeze %dma_wait3A_45 : memref<1x128xi32, #tpu.memory_space<vmem>> -> memref<128xi32, #tpu.memory_space<vmem>>
      %dma_wait3A_47 = arith.constant 0 : i32
      %dma_wait3A_48 = arith.constant 0 : i32
      %dma_wait3A_49 = tpu.memref_slice %arg2[%dma_wait3A_47, %dma_wait3A_48] : memref<10000x128xf32, #tpu.memory_space<hbm>> -> memref<10000x128xf32, #tpu.memory_space<hbm>>
      tpu.wait_indirect_dma semaphore(%arg11 : memref<!tpu.dma_semaphore, #tpu.memory_space<semaphore_mem>>) src(%dma_wait3A_49 : memref<10000x128xf32, #tpu.memory_space<hbm>>) dst(%arg9 : memref<128x128xf32, #tpu.memory_space<vmem>>)
      "tpu.region"() ({
        %run_scoped3A = tpu.sem_alloc : memref<!tpu.dma_semaphore, #tpu.memory_space<semaphore_mem>>
        %dma_start3A_67 = arith.constant 0 : i32
        %dma_start3A_68 = tpu.memref_slice %arg8[%mul3A_36, %dma_start3A_67] : memref<40x128xi32, #tpu.memory_space<vmem>> -> memref<1x128xi32, #tpu.memory_space<vmem>>
        %dma_start3A_69 = tpu.memref_squeeze %dma_start3A_68 : memref<1x128xi32, #tpu.memory_space<vmem>> -> memref<128xi32, #tpu.memory_space<vmem>>
        %dma_start3A_70 = arith.constant 0 : i32
        %dma_start3A_71 = arith.constant 0 : i32
        %dma_start3A_72 = tpu.memref_slice %arg13[%dma_start3A_70, %dma_start3A_71] : memref<10112x128xf32, #tpu.memory_space<vmem_shared>> -> memref<10112x128xf32, #tpu.memory_space<vmem_shared>>
        tpu.enqueue_indirect_dma source(%arg9 : memref<128x128xf32, #tpu.memory_space<vmem>>) target(%dma_start3A_72 : memref<10112x128xf32, #tpu.memory_space<vmem_shared>>) offsets(%dma_start3A_69 : memref<128xi32, #tpu.memory_space<vmem>>) semaphore(%run_scoped3A : memref<!tpu.dma_semaphore, #tpu.memory_space<semaphore_mem>>) {add = true}
        %dma_wait3A_73 = arith.constant 0 : i32
        %dma_wait3A_74 = tpu.memref_slice %arg8[%mul3A_36, %dma_wait3A_73] : memref<40x128xi32, #tpu.memory_space<vmem>> -> memref<1x128xi32, #tpu.memory_space<vmem>>
        %dma_wait3A_75 = tpu.memref_squeeze %dma_wait3A_74 : memref<1x128xi32, #tpu.memory_space<vmem>> -> memref<128xi32, #tpu.memory_space<vmem>>
        %dma_wait3A_76 = arith.constant 0 : i32
        %dma_wait3A_77 = arith.constant 0 : i32
        %dma_wait3A_78 = tpu.memref_slice %arg13[%dma_wait3A_76, %dma_wait3A_77] : memref<10112x128xf32, #tpu.memory_space<vmem_shared>> -> memref<10112x128xf32, #tpu.memory_space<vmem_shared>>
        tpu.wait_indirect_dma semaphore(%run_scoped3A : memref<!tpu.dma_semaphore, #tpu.memory_space<semaphore_mem>>) src(%arg9 : memref<128x128xf32, #tpu.memory_space<vmem>>) dst(%dma_wait3A_78 : memref<10112x128xf32, #tpu.memory_space<vmem_shared>>)
        tpu.yield
      }) : () -> ()
      %add3A_50 = arith.constant 2 : i32
      %add3A_51 = arith.addi %mul3A_36, %add3A_50 : i32
      %lt3A_52 = arith.constant 40 : i32
      %lt3A_53 = arith.cmpi slt, %add3A_51, %lt3A_52 : i32
      %convert_element_type3A_54 = arith.extui %lt3A_53 : i1 to i32
      %cond3A_55 = arith.constant 0 : i32
      %cond3A_56 = arith.cmpi ne, %convert_element_type3A_54, %cond3A_55 : i32
      scf.if %cond3A_56 {
        %add3A_67 = arith.constant 2 : i32
        %add3A_68 = arith.addi %mul3A_36, %add3A_67 : i32
        %dma_start3A_69 = arith.constant 0 : i32
        %dma_start3A_70 = tpu.memref_slice %arg7[%add3A_68, %dma_start3A_69] : memref<40x128xi32, #tpu.memory_space<vmem>> -> memref<1x128xi32, #tpu.memory_space<vmem>>
        %dma_start3A_71 = tpu.memref_squeeze %dma_start3A_70 : memref<1x128xi32, #tpu.memory_space<vmem>> -> memref<128xi32, #tpu.memory_space<vmem>>
        %dma_start3A_72 = arith.constant 0 : i32
        %dma_start3A_73 = arith.constant 0 : i32
        %dma_start3A_74 = tpu.memref_slice %arg2[%dma_start3A_72, %dma_start3A_73] : memref<10000x128xf32, #tpu.memory_space<hbm>> -> memref<10000x128xf32, #tpu.memory_space<hbm>>
        tpu.enqueue_indirect_dma source(%dma_start3A_74 : memref<10000x128xf32, #tpu.memory_space<hbm>>) target(%arg9 : memref<128x128xf32, #tpu.memory_space<vmem>>) offsets(%dma_start3A_71 : memref<128xi32, #tpu.memory_space<vmem>>) semaphore(%arg11 : memref<!tpu.dma_semaphore, #tpu.memory_space<semaphore_mem>>)
      } else {
      }
      %add3A_57 = arith.constant 1 : i32
      %add3A_58 = arith.addi %mul3A_36, %add3A_57 : i32
      %dma_wait3A_59 = arith.constant 0 : i32
      %dma_wait3A_60 = tpu.memref_slice %arg7[%add3A_58, %dma_wait3A_59] : memref<40x128xi32, #tpu.memory_space<vmem>> -> memref<1x128xi32, #tpu.memory_space<vmem>>
      %dma_wait3A_61 = tpu.memref_squeeze %dma_wait3A_60 : memref<1x128xi32, #tpu.memory_space<vmem>> -> memref<128xi32, #tpu.memory_space<vmem>>
      %dma_wait3A_62 = arith.constant 0 : i32
      %dma_wait3A_63 = arith.constant 0 : i32
      %dma_wait3A_64 = tpu.memref_slice %arg2[%dma_wait3A_62, %dma_wait3A_63] : memref<10000x128xf32, #tpu.memory_space<hbm>> -> memref<10000x128xf32, #tpu.memory_space<hbm>>
      tpu.wait_indirect_dma semaphore(%arg12 : memref<!tpu.dma_semaphore, #tpu.memory_space<semaphore_mem>>) src(%dma_wait3A_64 : memref<10000x128xf32, #tpu.memory_space<hbm>>) dst(%arg10 : memref<128x128xf32, #tpu.memory_space<vmem>>)
      %add3A_65 = arith.constant 1 : i32
      %add3A_66 = arith.addi %mul3A_36, %add3A_65 : i32
      "tpu.region"() ({
        %run_scoped3A = tpu.sem_alloc : memref<!tpu.dma_semaphore, #tpu.memory_space<semaphore_mem>>
        %dma_start3A_67 = arith.constant 0 : i32
        %dma_start3A_68 = tpu.memref_slice %arg8[%add3A_66, %dma_start3A_67] : memref<40x128xi32, #tpu.memory_space<vmem>> -> memref<1x128xi32, #tpu.memory_space<vmem>>
        %dma_start3A_69 = tpu.memref_squeeze %dma_start3A_68 : memref<1x128xi32, #tpu.memory_space<vmem>> -> memref<128xi32, #tpu.memory_space<vmem>>
        %dma_start3A_70 = arith.constant 0 : i32
        %dma_start3A_71 = arith.constant 0 : i32
        %dma_start3A_72 = tpu.memref_slice %arg13[%dma_start3A_70, %dma_start3A_71] : memref<10112x128xf32, #tpu.memory_space<vmem_shared>> -> memref<10112x128xf32, #tpu.memory_space<vmem_shared>>
        tpu.enqueue_indirect_dma source(%arg10 : memref<128x128xf32, #tpu.memory_space<vmem>>) target(%dma_start3A_72 : memref<10112x128xf32, #tpu.memory_space<vmem_shared>>) offsets(%dma_start3A_69 : memref<128xi32, #tpu.memory_space<vmem>>) semaphore(%run_scoped3A : memref<!tpu.dma_semaphore, #tpu.memory_space<semaphore_mem>>) {add = true}
        %dma_wait3A_73 = arith.constant 0 : i32
        %dma_wait3A_74 = tpu.memref_slice %arg8[%add3A_66, %dma_wait3A_73] : memref<40x128xi32, #tpu.memory_space<vmem>> -> memref<1x128xi32, #tpu.memory_space<vmem>>
        %dma_wait3A_75 = tpu.memref_squeeze %dma_wait3A_74 : memref<1x128xi32, #tpu.memory_space<vmem>> -> memref<128xi32, #tpu.memory_space<vmem>>
        %dma_wait3A_76 = arith.constant 0 : i32
        %dma_wait3A_77 = arith.constant 0 : i32
        %dma_wait3A_78 = tpu.memref_slice %arg13[%dma_wait3A_76, %dma_wait3A_77] : memref<10112x128xf32, #tpu.memory_space<vmem_shared>> -> memref<10112x128xf32, #tpu.memory_space<vmem_shared>>
        tpu.wait_indirect_dma semaphore(%run_scoped3A : memref<!tpu.dma_semaphore, #tpu.memory_space<semaphore_mem>>) src(%arg10 : memref<128x128xf32, #tpu.memory_space<vmem>>) dst(%dma_wait3A_78 : memref<10112x128xf32, #tpu.memory_space<vmem_shared>>)
        tpu.yield
      }) : () -> ()
    }
    %scan3A_13 = arith.constant 20 : i32
    "tpu.region"() ({
      %run_scoped3A = tpu.sem_alloc : memref<!tpu.dma_semaphore, #tpu.memory_space<semaphore_mem>>
      %dma_start3A_34 = arith.constant 40 : i32
      %dma_start3A_35 = arith.constant 0 : i32
      %dma_start3A_36 = tpu.memref_slice %arg3[%add3A, %dma_start3A_34, %dma_start3A_35] : memref<32x80x128xi32, #tpu.memory_space<hbm>> -> memref<1x40x128xi32, #tpu.memory_space<hbm>>
      %dma_start3A_37 = tpu.memref_squeeze %dma_start3A_36 : memref<1x40x128xi32, #tpu.memory_space<hbm>> -> memref<40x128xi32, #tpu.memory_space<hbm>>
      %dma_start3A_38 = arith.constant 40 : i32
      %dma_start3A_39 = arith.constant 0 : i32
      %dma_start3A_40 = tpu.memref_slice %arg3[%add3A, %dma_start3A_38, %dma_start3A_39] : memref<32x80x128xi32, #tpu.memory_space<hbm>> -> memref<1x40x128xi32, #tpu.memory_space<hbm>>
      %dma_start3A_41 = tpu.memref_squeeze %dma_start3A_40 : memref<1x40x128xi32, #tpu.memory_space<hbm>> -> memref<40x128xi32, #tpu.memory_space<hbm>>
      tpu.enqueue_dma source(%dma_start3A_41 : memref<40x128xi32, #tpu.memory_space<hbm>>) target(%arg7 : memref<40x128xi32, #tpu.memory_space<vmem>>) target_semaphore(%run_scoped3A : memref<!tpu.dma_semaphore, #tpu.memory_space<semaphore_mem>>)
      %dma_wait3A = arith.constant 40 : i32
      %dma_wait3A_42 = arith.constant 0 : i32
      %dma_wait3A_43 = tpu.memref_slice %arg3[%add3A, %dma_wait3A, %dma_wait3A_42] : memref<32x80x128xi32, #tpu.memory_space<hbm>> -> memref<1x40x128xi32, #tpu.memory_space<hbm>>
      %dma_wait3A_44 = tpu.memref_squeeze %dma_wait3A_43 : memref<1x40x128xi32, #tpu.memory_space<hbm>> -> memref<40x128xi32, #tpu.memory_space<hbm>>
      %dma_wait3A_45 = arith.constant 40 : i32
      %dma_wait3A_46 = arith.constant 0 : i32
      %dma_wait3A_47 = tpu.memref_slice %arg3[%add3A, %dma_wait3A_45, %dma_wait3A_46] : memref<32x80x128xi32, #tpu.memory_space<hbm>> -> memref<1x40x128xi32, #tpu.memory_space<hbm>>
      %dma_wait3A_48 = tpu.memref_squeeze %dma_wait3A_47 : memref<1x40x128xi32, #tpu.memory_space<hbm>> -> memref<40x128xi32, #tpu.memory_space<hbm>>
      tpu.wait_dma2 semaphore(%run_scoped3A : memref<!tpu.dma_semaphore, #tpu.memory_space<semaphore_mem>>) src(%dma_wait3A_48 : memref<40x128xi32, #tpu.memory_space<hbm>>) dst(%arg7 : memref<40x128xi32, #tpu.memory_space<vmem>>)
      tpu.yield
    }) : () -> ()
    "tpu.region"() ({
      %run_scoped3A = tpu.sem_alloc : memref<!tpu.dma_semaphore, #tpu.memory_space<semaphore_mem>>
      %dma_start3A_34 = arith.constant 40 : i32
      %dma_start3A_35 = arith.constant 0 : i32
      %dma_start3A_36 = tpu.memref_slice %arg4[%add3A, %dma_start3A_34, %dma_start3A_35] : memref<32x80x128xi32, #tpu.memory_space<hbm>> -> memref<1x40x128xi32, #tpu.memory_space<hbm>>
      %dma_start3A_37 = tpu.memref_squeeze %dma_start3A_36 : memref<1x40x128xi32, #tpu.memory_space<hbm>> -> memref<40x128xi32, #tpu.memory_space<hbm>>
      %dma_start3A_38 = arith.constant 40 : i32
      %dma_start3A_39 = arith.constant 0 : i32
      %dma_start3A_40 = tpu.memref_slice %arg4[%add3A, %dma_start3A_38, %dma_start3A_39] : memref<32x80x128xi32, #tpu.memory_space<hbm>> -> memref<1x40x128xi32, #tpu.memory_space<hbm>>
      %dma_start3A_41 = tpu.memref_squeeze %dma_start3A_40 : memref<1x40x128xi32, #tpu.memory_space<hbm>> -> memref<40x128xi32, #tpu.memory_space<hbm>>
      tpu.enqueue_dma source(%dma_start3A_41 : memref<40x128xi32, #tpu.memory_space<hbm>>) target(%arg8 : memref<40x128xi32, #tpu.memory_space<vmem>>) target_semaphore(%run_scoped3A : memref<!tpu.dma_semaphore, #tpu.memory_space<semaphore_mem>>)
      %dma_wait3A = arith.constant 40 : i32
      %dma_wait3A_42 = arith.constant 0 : i32
      %dma_wait3A_43 = tpu.memref_slice %arg4[%add3A, %dma_wait3A, %dma_wait3A_42] : memref<32x80x128xi32, #tpu.memory_space<hbm>> -> memref<1x40x128xi32, #tpu.memory_space<hbm>>
      %dma_wait3A_44 = tpu.memref_squeeze %dma_wait3A_43 : memref<1x40x128xi32, #tpu.memory_space<hbm>> -> memref<40x128xi32, #tpu.memory_space<hbm>>
      %dma_wait3A_45 = arith.constant 40 : i32
      %dma_wait3A_46 = arith.constant 0 : i32
      %dma_wait3A_47 = tpu.memref_slice %arg4[%add3A, %dma_wait3A_45, %dma_wait3A_46] : memref<32x80x128xi32, #tpu.memory_space<hbm>> -> memref<1x40x128xi32, #tpu.memory_space<hbm>>
      %dma_wait3A_48 = tpu.memref_squeeze %dma_wait3A_47 : memref<1x40x128xi32, #tpu.memory_space<hbm>> -> memref<40x128xi32, #tpu.memory_space<hbm>>
      tpu.wait_dma2 semaphore(%run_scoped3A : memref<!tpu.dma_semaphore, #tpu.memory_space<semaphore_mem>>) src(%dma_wait3A_48 : memref<40x128xi32, #tpu.memory_space<hbm>>) dst(%arg8 : memref<40x128xi32, #tpu.memory_space<vmem>>)
      tpu.yield
    }) : () -> ()
    %dma_start3A_14 = arith.constant 0 : i32
    %dma_start3A_15 = arith.constant 0 : i32
    %dma_start3A_16 = tpu.memref_slice %arg7[%dma_start3A_14, %dma_start3A_15] : memref<40x128xi32, #tpu.memory_space<vmem>> -> memref<1x128xi32, #tpu.memory_space<vmem>>
    %dma_start3A_17 = tpu.memref_squeeze %dma_start3A_16 : memref<1x128xi32, #tpu.memory_space<vmem>> -> memref<128xi32, #tpu.memory_space<vmem>>
    %dma_start3A_18 = arith.constant 0 : i32
    %dma_start3A_19 = arith.constant 0 : i32
    %dma_start3A_20 = tpu.memref_slice %arg2[%dma_start3A_18, %dma_start3A_19] : memref<10000x128xf32, #tpu.memory_space<hbm>> -> memref<10000x128xf32, #tpu.memory_space<hbm>>
    tpu.enqueue_indirect_dma source(%dma_start3A_20 : memref<10000x128xf32, #tpu.memory_space<hbm>>) target(%arg9 : memref<128x128xf32, #tpu.memory_space<vmem>>) offsets(%dma_start3A_17 : memref<128xi32, #tpu.memory_space<vmem>>) semaphore(%arg11 : memref<!tpu.dma_semaphore, #tpu.memory_space<semaphore_mem>>)
    %scan3A_21 = arith.constant 0 : i32
    %scan3A_22 = arith.constant 0 : i32
    %scan3A_23 = arith.constant 20 : i32
    %scan3A_24 = arith.addi %scan3A_22, %scan3A_23 : i32
    %scan3A_25 = arith.constant 1 : i32
    scf.for %scan3A_34 = %scan3A_22 to %scan3A_24 step %scan3A_25  : i32 {
      %mul3A_35 = arith.constant 2 : i32
      %mul3A_36 = arith.muli %mul3A_35, %scan3A_34 : i32
      %add3A_37 = arith.constant 1 : i32
      %add3A_38 = arith.addi %mul3A_36, %add3A_37 : i32
      %dma_start3A_39 = arith.constant 0 : i32
      %dma_start3A_40 = tpu.memref_slice %arg7[%add3A_38, %dma_start3A_39] : memref<40x128xi32, #tpu.memory_space<vmem>> -> memref<1x128xi32, #tpu.memory_space<vmem>>
      %dma_start3A_41 = tpu.memref_squeeze %dma_start3A_40 : memref<1x128xi32, #tpu.memory_space<vmem>> -> memref<128xi32, #tpu.memory_space<vmem>>
      %dma_start3A_42 = arith.constant 0 : i32
      %dma_start3A_43 = arith.constant 0 : i32
      %dma_start3A_44 = tpu.memref_slice %arg2[%dma_start3A_42, %dma_start3A_43] : memref<10000x128xf32, #tpu.memory_space<hbm>> -> memref<10000x128xf32, #tpu.memory_space<hbm>>
      tpu.enqueue_indirect_dma source(%dma_start3A_44 : memref<10000x128xf32, #tpu.memory_space<hbm>>) target(%arg10 : memref<128x128xf32, #tpu.memory_space<vmem>>) offsets(%dma_start3A_41 : memref<128xi32, #tpu.memory_space<vmem>>) semaphore(%arg12 : memref<!tpu.dma_semaphore, #tpu.memory_space<semaphore_mem>>)
      %dma_wait3A = arith.constant 0 : i32
      %dma_wait3A_45 = tpu.memref_slice %arg7[%mul3A_36, %dma_wait3A] : memref<40x128xi32, #tpu.memory_space<vmem>> -> memref<1x128xi32, #tpu.memory_space<vmem>>
      %dma_wait3A_46 = tpu.memref_squeeze %dma_wait3A_45 : memref<1x128xi32, #tpu.memory_space<vmem>> -> memref<128xi32, #tpu.memory_space<vmem>>
      %dma_wait3A_47 = arith.constant 0 : i32
      %dma_wait3A_48 = arith.constant 0 : i32
      %dma_wait3A_49 = tpu.memref_slice %arg2[%dma_wait3A_47, %dma_wait3A_48] : memref<10000x128xf32, #tpu.memory_space<hbm>> -> memref<10000x128xf32, #tpu.memory_space<hbm>>
      tpu.wait_indirect_dma semaphore(%arg11 : memref<!tpu.dma_semaphore, #tpu.memory_space<semaphore_mem>>) src(%dma_wait3A_49 : memref<10000x128xf32, #tpu.memory_space<hbm>>) dst(%arg9 : memref<128x128xf32, #tpu.memory_space<vmem>>)
      "tpu.region"() ({
        %run_scoped3A = tpu.sem_alloc : memref<!tpu.dma_semaphore, #tpu.memory_space<semaphore_mem>>
        %dma_start3A_67 = arith.constant 0 : i32
        %dma_start3A_68 = tpu.memref_slice %arg8[%mul3A_36, %dma_start3A_67] : memref<40x128xi32, #tpu.memory_space<vmem>> -> memref<1x128xi32, #tpu.memory_space<vmem>>
        %dma_start3A_69 = tpu.memref_squeeze %dma_start3A_68 : memref<1x128xi32, #tpu.memory_space<vmem>> -> memref<128xi32, #tpu.memory_space<vmem>>
        %dma_start3A_70 = arith.constant 0 : i32
        %dma_start3A_71 = arith.constant 0 : i32
        %dma_start3A_72 = tpu.memref_slice %arg13[%dma_start3A_70, %dma_start3A_71] : memref<10112x128xf32, #tpu.memory_space<vmem_shared>> -> memref<10112x128xf32, #tpu.memory_space<vmem_shared>>
        tpu.enqueue_indirect_dma source(%arg9 : memref<128x128xf32, #tpu.memory_space<vmem>>) target(%dma_start3A_72 : memref<10112x128xf32, #tpu.memory_space<vmem_shared>>) offsets(%dma_start3A_69 : memref<128xi32, #tpu.memory_space<vmem>>) semaphore(%run_scoped3A : memref<!tpu.dma_semaphore, #tpu.memory_space<semaphore_mem>>) {add = true}
        %dma_wait3A_73 = arith.constant 0 : i32
        %dma_wait3A_74 = tpu.memref_slice %arg8[%mul3A_36, %dma_wait3A_73] : memref<40x128xi32, #tpu.memory_space<vmem>> -> memref<1x128xi32, #tpu.memory_space<vmem>>
        %dma_wait3A_75 = tpu.memref_squeeze %dma_wait3A_74 : memref<1x128xi32, #tpu.memory_space<vmem>> -> memref<128xi32, #tpu.memory_space<vmem>>
        %dma_wait3A_76 = arith.constant 0 : i32
        %dma_wait3A_77 = arith.constant 0 : i32
        %dma_wait3A_78 = tpu.memref_slice %arg13[%dma_wait3A_76, %dma_wait3A_77] : memref<10112x128xf32, #tpu.memory_space<vmem_shared>> -> memref<10112x128xf32, #tpu.memory_space<vmem_shared>>
        tpu.wait_indirect_dma semaphore(%run_scoped3A : memref<!tpu.dma_semaphore, #tpu.memory_space<semaphore_mem>>) src(%arg9 : memref<128x128xf32, #tpu.memory_space<vmem>>) dst(%dma_wait3A_78 : memref<10112x128xf32, #tpu.memory_space<vmem_shared>>)
        tpu.yield
      }) : () -> ()
      %add3A_50 = arith.constant 2 : i32
      %add3A_51 = arith.addi %mul3A_36, %add3A_50 : i32
      %lt3A_52 = arith.constant 40 : i32
      %lt3A_53 = arith.cmpi slt, %add3A_51, %lt3A_52 : i32
      %convert_element_type3A_54 = arith.extui %lt3A_53 : i1 to i32
      %cond3A_55 = arith.constant 0 : i32
      %cond3A_56 = arith.cmpi ne, %convert_element_type3A_54, %cond3A_55 : i32
      scf.if %cond3A_56 {
        %add3A_67 = arith.constant 2 : i32
        %add3A_68 = arith.addi %mul3A_36, %add3A_67 : i32
        %dma_start3A_69 = arith.constant 0 : i32
        %dma_start3A_70 = tpu.memref_slice %arg7[%add3A_68, %dma_start3A_69] : memref<40x128xi32, #tpu.memory_space<vmem>> -> memref<1x128xi32, #tpu.memory_space<vmem>>
        %dma_start3A_71 = tpu.memref_squeeze %dma_start3A_70 : memref<1x128xi32, #tpu.memory_space<vmem>> -> memref<128xi32, #tpu.memory_space<vmem>>
        %dma_start3A_72 = arith.constant 0 : i32
        %dma_start3A_73 = arith.constant 0 : i32
        %dma_start3A_74 = tpu.memref_slice %arg2[%dma_start3A_72, %dma_start3A_73] : memref<10000x128xf32, #tpu.memory_space<hbm>> -> memref<10000x128xf32, #tpu.memory_space<hbm>>
        tpu.enqueue_indirect_dma source(%dma_start3A_74 : memref<10000x128xf32, #tpu.memory_space<hbm>>) target(%arg9 : memref<128x128xf32, #tpu.memory_space<vmem>>) offsets(%dma_start3A_71 : memref<128xi32, #tpu.memory_space<vmem>>) semaphore(%arg11 : memref<!tpu.dma_semaphore, #tpu.memory_space<semaphore_mem>>)
      } else {
      }
      %add3A_57 = arith.constant 1 : i32
      %add3A_58 = arith.addi %mul3A_36, %add3A_57 : i32
      %dma_wait3A_59 = arith.constant 0 : i32
      %dma_wait3A_60 = tpu.memref_slice %arg7[%add3A_58, %dma_wait3A_59] : memref<40x128xi32, #tpu.memory_space<vmem>> -> memref<1x128xi32, #tpu.memory_space<vmem>>
      %dma_wait3A_61 = tpu.memref_squeeze %dma_wait3A_60 : memref<1x128xi32, #tpu.memory_space<vmem>> -> memref<128xi32, #tpu.memory_space<vmem>>
      %dma_wait3A_62 = arith.constant 0 : i32
      %dma_wait3A_63 = arith.constant 0 : i32
      %dma_wait3A_64 = tpu.memref_slice %arg2[%dma_wait3A_62, %dma_wait3A_63] : memref<10000x128xf32, #tpu.memory_space<hbm>> -> memref<10000x128xf32, #tpu.memory_space<hbm>>
      tpu.wait_indirect_dma semaphore(%arg12 : memref<!tpu.dma_semaphore, #tpu.memory_space<semaphore_mem>>) src(%dma_wait3A_64 : memref<10000x128xf32, #tpu.memory_space<hbm>>) dst(%arg10 : memref<128x128xf32, #tpu.memory_space<vmem>>)
      %add3A_65 = arith.constant 1 : i32
      %add3A_66 = arith.addi %mul3A_36, %add3A_65 : i32
      "tpu.region"() ({
        %run_scoped3A = tpu.sem_alloc : memref<!tpu.dma_semaphore, #tpu.memory_space<semaphore_mem>>
        %dma_start3A_67 = arith.constant 0 : i32
        %dma_start3A_68 = tpu.memref_slice %arg8[%add3A_66, %dma_start3A_67] : memref<40x128xi32, #tpu.memory_space<vmem>> -> memref<1x128xi32, #tpu.memory_space<vmem>>
        %dma_start3A_69 = tpu.memref_squeeze %dma_start3A_68 : memref<1x128xi32, #tpu.memory_space<vmem>> -> memref<128xi32, #tpu.memory_space<vmem>>
        %dma_start3A_70 = arith.constant 0 : i32
        %dma_start3A_71 = arith.constant 0 : i32
        %dma_start3A_72 = tpu.memref_slice %arg13[%dma_start3A_70, %dma_start3A_71] : memref<10112x128xf32, #tpu.memory_space<vmem_shared>> -> memref<10112x128xf32, #tpu.memory_space<vmem_shared>>
        tpu.enqueue_indirect_dma source(%arg10 : memref<128x128xf32, #tpu.memory_space<vmem>>) target(%dma_start3A_72 : memref<10112x128xf32, #tpu.memory_space<vmem_shared>>) offsets(%dma_start3A_69 : memref<128xi32, #tpu.memory_space<vmem>>) semaphore(%run_scoped3A : memref<!tpu.dma_semaphore, #tpu.memory_space<semaphore_mem>>) {add = true}
        %dma_wait3A_73 = arith.constant 0 : i32
        %dma_wait3A_74 = tpu.memref_slice %arg8[%add3A_66, %dma_wait3A_73] : memref<40x128xi32, #tpu.memory_space<vmem>> -> memref<1x128xi32, #tpu.memory_space<vmem>>
        %dma_wait3A_75 = tpu.memref_squeeze %dma_wait3A_74 : memref<1x128xi32, #tpu.memory_space<vmem>> -> memref<128xi32, #tpu.memory_space<vmem>>
        %dma_wait3A_76 = arith.constant 0 : i32
        %dma_wait3A_77 = arith.constant 0 : i32
        %dma_wait3A_78 = tpu.memref_slice %arg13[%dma_wait3A_76, %dma_wait3A_77] : memref<10112x128xf32, #tpu.memory_space<vmem_shared>> -> memref<10112x128xf32, #tpu.memory_space<vmem_shared>>
        tpu.wait_indirect_dma semaphore(%run_scoped3A : memref<!tpu.dma_semaphore, #tpu.memory_space<semaphore_mem>>) src(%arg10 : memref<128x128xf32, #tpu.memory_space<vmem>>) dst(%dma_wait3A_78 : memref<10112x128xf32, #tpu.memory_space<vmem_shared>>)
        tpu.yield
      }) : () -> ()
    }
    %scan3A_26 = arith.constant 20 : i32
    %barrier3A_27 = arith.constant 0 : index
    tpu.barrier barrier_id(%barrier3A_27)
    %lt3A = arith.constant 15 : i32
    %lt3A_28 = arith.cmpi slt, %arg1, %lt3A : i32
    %convert_element_type3A = arith.extui %lt3A_28 : i1 to i32
    %cond3A = arith.constant 0 : i32
    %cond3A_29 = arith.cmpi ne, %convert_element_type3A, %cond3A : i32
    scf.if %cond3A_29 {
      %mul3A_34 = arith.constant 632 : i32
      %mul3A_35 = arith.muli %arg1, %mul3A_34 : i32
      %mul3A_36 = arith.constant 10000 : i32
      %mul3A_37 = arith.muli %arg0, %mul3A_36 : i32
      %mul3A_38 = arith.constant 632 : i32
      %mul3A_39 = arith.muli %arg1, %mul3A_38 : i32
      %add3A_40 = arith.addi %mul3A_37, %mul3A_39 : i32
      "tpu.region"() ({
        %run_scoped3A = tpu.sem_alloc : memref<!tpu.dma_semaphore, #tpu.memory_space<semaphore_mem>>
        %dma_start3A_41 = arith.constant 0 : i32
        %dma_start3A_42 = tpu.memref_slice %arg6[%add3A_40, %dma_start3A_41] : memref<20000x128xf32, #tpu.memory_space<hbm>> -> memref<632x128xf32, #tpu.memory_space<hbm>>
        %dma_start3A_43 = arith.constant 0 : i32
        %dma_start3A_44 = tpu.memref_slice %arg13[%mul3A_35, %dma_start3A_43] : memref<10112x128xf32, #tpu.memory_space<vmem_shared>> -> memref<632x128xf32, #tpu.memory_space<vmem_shared>>
        tpu.enqueue_dma source(%dma_start3A_44 : memref<632x128xf32, #tpu.memory_space<vmem_shared>>) target(%dma_start3A_42 : memref<632x128xf32, #tpu.memory_space<hbm>>) target_semaphore(%run_scoped3A : memref<!tpu.dma_semaphore, #tpu.memory_space<semaphore_mem>>)
        %dma_wait3A = arith.constant 0 : i32
        %dma_wait3A_45 = tpu.memref_slice %arg6[%add3A_40, %dma_wait3A] : memref<20000x128xf32, #tpu.memory_space<hbm>> -> memref<632x128xf32, #tpu.memory_space<hbm>>
        %dma_wait3A_46 = arith.constant 0 : i32
        %dma_wait3A_47 = tpu.memref_slice %arg13[%mul3A_35, %dma_wait3A_46] : memref<10112x128xf32, #tpu.memory_space<vmem_shared>> -> memref<632x128xf32, #tpu.memory_space<vmem_shared>>
        tpu.wait_dma2 semaphore(%run_scoped3A : memref<!tpu.dma_semaphore, #tpu.memory_space<semaphore_mem>>) src(%dma_wait3A_47 : memref<632x128xf32, #tpu.memory_space<vmem_shared>>) dst(%dma_wait3A_45 : memref<632x128xf32, #tpu.memory_space<hbm>>)
        tpu.yield
      }) : () -> ()
    } else {
    }
    %eq3A = arith.constant 15 : i32
    %eq3A_30 = arith.cmpi eq, %arg1, %eq3A : i32
    %convert_element_type3A_31 = arith.extui %eq3A_30 : i1 to i32
    %cond3A_32 = arith.constant 0 : i32
    %cond3A_33 = arith.cmpi ne, %convert_element_type3A_31, %cond3A_32 : i32
    scf.if %cond3A_33 {
      %mul3A_34 = arith.constant 632 : i32
      %mul3A_35 = arith.muli %arg1, %mul3A_34 : i32
      %mul3A_36 = arith.constant 10000 : i32
      %mul3A_37 = arith.muli %arg0, %mul3A_36 : i32
      %mul3A_38 = arith.constant 632 : i32
      %mul3A_39 = arith.muli %arg1, %mul3A_38 : i32
      %add3A_40 = arith.addi %mul3A_37, %mul3A_39 : i32
      "tpu.region"() ({
        %run_scoped3A = tpu.sem_alloc : memref<!tpu.dma_semaphore, #tpu.memory_space<semaphore_mem>>
        %dma_start3A_41 = arith.constant 0 : i32
        %dma_start3A_42 = tpu.memref_slice %arg6[%add3A_40, %dma_start3A_41] : memref<20000x128xf32, #tpu.memory_space<hbm>> -> memref<520x128xf32, #tpu.memory_space<hbm>>
        %dma_start3A_43 = arith.constant 0 : i32
        %dma_start3A_44 = tpu.memref_slice %arg13[%mul3A_35, %dma_start3A_43] : memref<10112x128xf32, #tpu.memory_space<vmem_shared>> -> memref<520x128xf32, #tpu.memory_space<vmem_shared>>
        tpu.enqueue_dma source(%dma_start3A_44 : memref<520x128xf32, #tpu.memory_space<vmem_shared>>) target(%dma_start3A_42 : memref<520x128xf32, #tpu.memory_space<hbm>>) target_semaphore(%run_scoped3A : memref<!tpu.dma_semaphore, #tpu.memory_space<semaphore_mem>>)
        %dma_wait3A = arith.constant 0 : i32
        %dma_wait3A_45 = tpu.memref_slice %arg6[%add3A_40, %dma_wait3A] : memref<20000x128xf32, #tpu.memory_space<hbm>> -> memref<520x128xf32, #tpu.memory_space<hbm>>
        %dma_wait3A_46 = arith.constant 0 : i32
        %dma_wait3A_47 = tpu.memref_slice %arg13[%mul3A_35, %dma_wait3A_46] : memref<10112x128xf32, #tpu.memory_space<vmem_shared>> -> memref<520x128xf32, #tpu.memory_space<vmem_shared>>
        tpu.wait_dma2 semaphore(%run_scoped3A : memref<!tpu.dma_semaphore, #tpu.memory_space<semaphore_mem>>) src(%dma_wait3A_47 : memref<520x128xf32, #tpu.memory_space<vmem_shared>>) dst(%dma_wait3A_45 : memref<520x128xf32, #tpu.memory_space<hbm>>)
        tpu.yield
      }) : () -> ()
    } else {
    }
    return
  }
}

module attributes {stable_mosaic.version = 14 : i64} {
  func.func @_tcb_body(%arg0: i32, %arg1: memref<2x1000x1xf32, #tpu.memory_space<vmem>>, %arg2: memref<1000x128xf32, #tpu.memory_space<vmem>>, %arg3: memref<128x128xf32, #tpu.memory_space<vmem>>, %arg4: memref<1000x1xf32, #tpu.memory_space<vmem>>, %arg5: memref<1000x128xf32, #tpu.memory_space<vmem>>, %arg6: memref<1000x128xf32, #tpu.memory_space<vmem>>) attributes {dimension_semantics = [#tpu.dimension_semantics<arbitrary>], iteration_bounds = array<i64: 10>, scalar_prefetch = 0 : i64, scratch_operands = 0 : i64, tpu.core_type = #tpu.core_type<tc>, window_params = [{transform_indices = @transform_0, window_bounds = array<i64: 2, 1000, 1>}, {transform_indices = @transform_1, window_bounds = array<i64: 1000, 128>}, {pipeline_mode = #tpu.pipeline_mode<synchronous>, transform_indices = @transform_2, window_bounds = array<i64: 128, 128>}, {transform_indices = @transform_3, window_bounds = array<i64: 1000, 1>}, {transform_indices = @transform_4, window_bounds = array<i64: 1000, 128>}, {transform_indices = @transform_5, window_bounds = array<i64: 1000, 128>}]} {
    %get3A = arith.constant 0 : index
    %get3A_0 = arith.constant 0 : index
    %get3A_1 = arith.constant 0 : index
    %get3A_2 = vector.load %arg1[%get3A, %get3A_0, %get3A_1] : memref<2x1000x1xf32, #tpu.memory_space<vmem>>, vector<1x1000x1xf32>
    %get3A_3 = vector.shape_cast %get3A_2 : vector<1x1000x1xf32> to vector<1000x1xf32>
    %get3A_4 = arith.constant 1 : index
    %get3A_5 = arith.constant 0 : index
    %get3A_6 = arith.constant 0 : index
    %get3A_7 = vector.load %arg1[%get3A_4, %get3A_5, %get3A_6] : memref<2x1000x1xf32, #tpu.memory_space<vmem>>, vector<1x1000x1xf32>
    %get3A_8 = vector.shape_cast %get3A_7 : vector<1x1000x1xf32> to vector<1000x1xf32>
    %add3A = arith.addf %get3A_3, %get3A_8 : vector<1000x1xf32>
    %add3A_9 = arith.constant 1.000000e+00 : f32
    %add3A_10 = vector.broadcast %add3A_9 : f32 to vector<1000x1xf32>
    %add3A_11 = arith.addf %add3A, %add3A_10 : vector<1000x1xf32>
    %rsqrt3A = math.rsqrt %add3A_11 : vector<1000x1xf32>
    %get3A_12 = arith.constant 0 : index
    %get3A_13 = arith.constant 0 : index
    %get3A_14 = vector.load %arg2[%get3A_12, %get3A_13] : memref<1000x128xf32, #tpu.memory_space<vmem>>, vector<1000x128xf32>
    %get3A_15 = arith.constant 0 : index
    %get3A_16 = arith.constant 0 : index
    %get3A_17 = vector.load %arg3[%get3A_15, %get3A_16] : memref<128x128xf32, #tpu.memory_space<vmem>>, vector<128x128xf32>
    %dot_general3A = arith.constant dense<0.000000e+00> : vector<1000x128xf32>
    %dot_general3A_18 = tpu.matmul %get3A_14, %get3A_17, %dot_general3A {dimension_numbers = #tpu.dot_dimension_numbers<[1], [0], [0], [1], [0, 0, 1, 1], [], []>, transpose_lhs_hint = false} : vector<1000x128xf32>, vector<128x128xf32>, vector<1000x128xf32> -> vector<1000x128xf32>
    %swap3A = arith.constant 0 : index
    %swap3A_19 = arith.constant 0 : index
    %swap3A_20 = vector.load %arg4[%swap3A, %swap3A_19] : memref<1000x1xf32, #tpu.memory_space<vmem>>, vector<1000x1xf32>
    tpu.vector_store %arg4[%swap3A, %swap3A_19], %rsqrt3A {strides = array<i32>} : memref<1000x1xf32, #tpu.memory_space<vmem>>, vector<1000x1xf32>,
    %swap3A_21 = arith.constant 0 : index
    %swap3A_22 = arith.constant 0 : index
    %swap3A_23 = vector.load %arg5[%swap3A_21, %swap3A_22] : memref<1000x128xf32, #tpu.memory_space<vmem>>, vector<1000x128xf32>
    tpu.vector_store %arg5[%swap3A_21, %swap3A_22], %dot_general3A_18 {strides = array<i32>} : memref<1000x128xf32, #tpu.memory_space<vmem>>, vector<1000x128xf32>,
    %mul3A = vector.broadcast %rsqrt3A : vector<1000x1xf32> to vector<1000x128xf32>
    %mul3A_24 = arith.mulf %mul3A, %dot_general3A_18 : vector<1000x128xf32>
    %swap3A_25 = arith.constant 0 : index
    %swap3A_26 = arith.constant 0 : index
    %swap3A_27 = vector.load %arg6[%swap3A_25, %swap3A_26] : memref<1000x128xf32, #tpu.memory_space<vmem>>, vector<1000x128xf32>
    tpu.vector_store %arg6[%swap3A_25, %swap3A_26], %mul3A_24 {strides = array<i32>} : memref<1000x128xf32, #tpu.memory_space<vmem>>, vector<1000x128xf32>,
    return
  }
  func.func @transform_0(%arg0: i32) -> (i32, i32, i32) {
    %c0_i32 = arith.constant 0 : i32
    %c0_i32_0 = arith.constant 0 : i32
    %c0_i32_1 = arith.constant 0 : i32
    return %c0_i32, %arg0, %c0_i32_0 : i32, i32, i32
  }
  func.func @transform_1(%arg0: i32) -> (i32, i32) {
    %c0_i32 = arith.constant 0 : i32
    %c0_i32_0 = arith.constant 0 : i32
    return %arg0, %c0_i32 : i32, i32
  }
  func.func @transform_2(%arg0: i32) -> (i32, i32) {
    %c0_i32 = arith.constant 0 : i32
    %c0_i32_0 = arith.constant 0 : i32
    %c0_i32_1 = arith.constant 0 : i32
    return %c0_i32, %c0_i32_0 : i32, i32
  }
  func.func @transform_3(%arg0: i32) -> (i32, i32) {
    %c0_i32 = arith.constant 0 : i32
    %c0_i32_0 = arith.constant 0 : i32
    return %arg0, %c0_i32 : i32, i32
  }
  func.func @transform_4(%arg0: i32) -> (i32, i32) {
    %c0_i32 = arith.constant 0 : i32
    %c0_i32_0 = arith.constant 0 : i32
    return %arg0, %c0_i32 : i32, i32
  }
  func.func @transform_5(%arg0: i32) -> (i32, i32) {
    %c0_i32 = arith.constant 0 : i32
    %c0_i32_0 = arith.constant 0 : i32
    return %arg0, %c0_i32 : i32, i32
  }
}

module attributes {stable_mosaic.version = 14 : i64} {
  func.func @_tcd_body(%arg0: i32, %arg1: memref<2x1000x128xf32, #tpu.memory_space<vmem>>, %arg2: memref<1000x1xf32, #tpu.memory_space<vmem>>, %arg3: memref<1000x128xf32, #tpu.memory_space<vmem>>, %arg4: memref<1x128xf32, #tpu.memory_space<vmem>>, %arg5: memref<128x128xf32, #tpu.memory_space<vmem>>, %arg6: memref<1x128xf32, #tpu.memory_space<vmem>>, %arg7: memref<1000x128xf32, #tpu.memory_space<vmem>>, %arg8: memref<1000x128xf32, #tpu.memory_space<vmem>>) attributes {dimension_semantics = [#tpu.dimension_semantics<arbitrary>], iteration_bounds = array<i64: 10>, scalar_prefetch = 0 : i64, scratch_operands = 0 : i64, tpu.core_type = #tpu.core_type<tc>, window_params = [{transform_indices = @transform_0, window_bounds = array<i64: 2, 1000, 128>}, {transform_indices = @transform_1, window_bounds = array<i64: 1000, 1>}, {transform_indices = @transform_2, window_bounds = array<i64: 1000, 128>}, {pipeline_mode = #tpu.pipeline_mode<synchronous>, transform_indices = @transform_3, window_bounds = array<i64: 1, 128>}, {pipeline_mode = #tpu.pipeline_mode<synchronous>, transform_indices = @transform_4, window_bounds = array<i64: 128, 128>}, {pipeline_mode = #tpu.pipeline_mode<synchronous>, transform_indices = @transform_5, window_bounds = array<i64: 1, 128>}, {transform_indices = @transform_6, window_bounds = array<i64: 1000, 128>}, {transform_indices = @transform_7, window_bounds = array<i64: 1000, 128>}]} {
    %get3A = arith.constant 0 : index
    %get3A_0 = arith.constant 0 : index
    %get3A_1 = vector.load %arg2[%get3A, %get3A_0] : memref<1000x1xf32, #tpu.memory_space<vmem>>, vector<1000x1xf32>
    %get3A_2 = arith.constant 0 : index
    %get3A_3 = arith.constant 0 : index
    %get3A_4 = arith.constant 0 : index
    %get3A_5 = vector.load %arg1[%get3A_2, %get3A_3, %get3A_4] : memref<2x1000x128xf32, #tpu.memory_space<vmem>>, vector<1x1000x128xf32>
    %get3A_6 = vector.shape_cast %get3A_5 : vector<1x1000x128xf32> to vector<1000x128xf32>
    %get3A_7 = arith.constant 1 : index
    %get3A_8 = arith.constant 0 : index
    %get3A_9 = arith.constant 0 : index
    %get3A_10 = vector.load %arg1[%get3A_7, %get3A_8, %get3A_9] : memref<2x1000x128xf32, #tpu.memory_space<vmem>>, vector<1x1000x128xf32>
    %get3A_11 = vector.shape_cast %get3A_10 : vector<1x1000x128xf32> to vector<1000x128xf32>
    %add3A = arith.addf %get3A_6, %get3A_11 : vector<1000x128xf32>
    %get3A_12 = arith.constant 0 : index
    %get3A_13 = arith.constant 0 : index
    %get3A_14 = vector.load %arg3[%get3A_12, %get3A_13] : memref<1000x128xf32, #tpu.memory_space<vmem>>, vector<1000x128xf32>
    %mul3A = vector.broadcast %get3A_1 : vector<1000x1xf32> to vector<1000x128xf32>
    %mul3A_15 = arith.mulf %mul3A, %get3A_14 : vector<1000x128xf32>
    %add3A_16 = arith.addf %add3A, %mul3A_15 : vector<1000x128xf32>
    %mul3A_17 = vector.broadcast %get3A_1 : vector<1000x1xf32> to vector<1000x128xf32>
    %mul3A_18 = arith.mulf %mul3A_17, %add3A_16 : vector<1000x128xf32>
    %get3A_19 = arith.constant 0 : index
    %get3A_20 = arith.constant 0 : index
    %get3A_21 = vector.load %arg4[%get3A_19, %get3A_20] : memref<1x128xf32, #tpu.memory_space<vmem>>, vector<1x128xf32>
    %add3A_22 = vector.broadcast %get3A_21 : vector<1x128xf32> to vector<1000x128xf32>
    %add3A_23 = arith.addf %mul3A_18, %add3A_22 : vector<1000x128xf32>
    %max3A = arith.constant 0.000000e+00 : f32
    %max3A_24 = vector.broadcast %max3A : f32 to vector<1000x128xf32>
    %max3A_25 = arith.maximumf %add3A_23, %max3A_24 : vector<1000x128xf32>
    %get3A_26 = arith.constant 0 : index
    %get3A_27 = arith.constant 0 : index
    %get3A_28 = vector.load %arg5[%get3A_26, %get3A_27] : memref<128x128xf32, #tpu.memory_space<vmem>>, vector<128x128xf32>
    %dot_general3A = arith.constant dense<0.000000e+00> : vector<1000x128xf32>
    %dot_general3A_29 = tpu.matmul %max3A_25, %get3A_28, %dot_general3A {dimension_numbers = #tpu.dot_dimension_numbers<[1], [0], [0], [1], [0, 0, 1, 1], [], []>, transpose_lhs_hint = false} : vector<1000x128xf32>, vector<128x128xf32>, vector<1000x128xf32> -> vector<1000x128xf32>
    %get3A_30 = arith.constant 0 : index
    %get3A_31 = arith.constant 0 : index
    %get3A_32 = vector.load %arg6[%get3A_30, %get3A_31] : memref<1x128xf32, #tpu.memory_space<vmem>>, vector<1x128xf32>
    %add3A_33 = vector.broadcast %get3A_32 : vector<1x128xf32> to vector<1000x128xf32>
    %add3A_34 = arith.addf %dot_general3A_29, %add3A_33 : vector<1000x128xf32>
    %swap3A = arith.constant 0 : index
    %swap3A_35 = arith.constant 0 : index
    %swap3A_36 = vector.load %arg7[%swap3A, %swap3A_35] : memref<1000x128xf32, #tpu.memory_space<vmem>>, vector<1000x128xf32>
    tpu.vector_store %arg7[%swap3A, %swap3A_35], %add3A_34 {strides = array<i32>} : memref<1000x128xf32, #tpu.memory_space<vmem>>, vector<1000x128xf32>,
    %mul3A_37 = vector.broadcast %get3A_1 : vector<1000x1xf32> to vector<1000x128xf32>
    %mul3A_38 = arith.mulf %mul3A_37, %add3A_34 : vector<1000x128xf32>
    %swap3A_39 = arith.constant 0 : index
    %swap3A_40 = arith.constant 0 : index
    %swap3A_41 = vector.load %arg8[%swap3A_39, %swap3A_40] : memref<1000x128xf32, #tpu.memory_space<vmem>>, vector<1000x128xf32>
    tpu.vector_store %arg8[%swap3A_39, %swap3A_40], %mul3A_38 {strides = array<i32>} : memref<1000x128xf32, #tpu.memory_space<vmem>>, vector<1000x128xf32>,
    return
  }
  func.func @transform_0(%arg0: i32) -> (i32, i32, i32) {
    %c0_i32 = arith.constant 0 : i32
    %c0_i32_0 = arith.constant 0 : i32
    %c0_i32_1 = arith.constant 0 : i32
    return %c0_i32, %arg0, %c0_i32_0 : i32, i32, i32
  }
  func.func @transform_1(%arg0: i32) -> (i32, i32) {
    %c0_i32 = arith.constant 0 : i32
    %c0_i32_0 = arith.constant 0 : i32
    return %arg0, %c0_i32 : i32, i32
  }
  func.func @transform_2(%arg0: i32) -> (i32, i32) {
    %c0_i32 = arith.constant 0 : i32
    %c0_i32_0 = arith.constant 0 : i32
    return %arg0, %c0_i32 : i32, i32
  }
  func.func @transform_3(%arg0: i32) -> (i32, i32) {
    %c0_i32 = arith.constant 0 : i32
    %c0_i32_0 = arith.constant 0 : i32
    %c0_i32_1 = arith.constant 0 : i32
    return %c0_i32, %c0_i32_0 : i32, i32
  }
  func.func @transform_4(%arg0: i32) -> (i32, i32) {
    %c0_i32 = arith.constant 0 : i32
    %c0_i32_0 = arith.constant 0 : i32
    %c0_i32_1 = arith.constant 0 : i32
    return %c0_i32, %c0_i32_0 : i32, i32
  }
  func.func @transform_5(%arg0: i32) -> (i32, i32) {
    %c0_i32 = arith.constant 0 : i32
    %c0_i32_0 = arith.constant 0 : i32
    %c0_i32_1 = arith.constant 0 : i32
    return %c0_i32, %c0_i32_0 : i32, i32
  }
  func.func @transform_6(%arg0: i32) -> (i32, i32) {
    %c0_i32 = arith.constant 0 : i32
    %c0_i32_0 = arith.constant 0 : i32
    return %arg0, %c0_i32 : i32, i32
  }
  func.func @transform_7(%arg0: i32) -> (i32, i32) {
    %c0_i32 = arith.constant 0 : i32
    %c0_i32_0 = arith.constant 0 : i32
    return %arg0, %c0_i32 : i32, i32
  }
}

module attributes {stable_mosaic.version = 14 : i64} {
  func.func @_tcd_body(%arg0: i32, %arg1: memref<2x1000x128xf32, #tpu.memory_space<vmem>>, %arg2: memref<1000x1xf32, #tpu.memory_space<vmem>>, %arg3: memref<1000x128xf32, #tpu.memory_space<vmem>>, %arg4: memref<1x128xf32, #tpu.memory_space<vmem>>, %arg5: memref<128x128xf32, #tpu.memory_space<vmem>>, %arg6: memref<1x128xf32, #tpu.memory_space<vmem>>, %arg7: memref<1000x128xf32, #tpu.memory_space<vmem>>, %arg8: memref<1000x128xf32, #tpu.memory_space<vmem>>) attributes {dimension_semantics = [#tpu.dimension_semantics<arbitrary>], iteration_bounds = array<i64: 10>, scalar_prefetch = 0 : i64, scratch_operands = 0 : i64, tpu.core_type = #tpu.core_type<tc>, window_params = [{transform_indices = @transform_0, window_bounds = array<i64: 2, 1000, 128>}, {transform_indices = @transform_1, window_bounds = array<i64: 1000, 1>}, {transform_indices = @transform_2, window_bounds = array<i64: 1000, 128>}, {pipeline_mode = #tpu.pipeline_mode<synchronous>, transform_indices = @transform_3, window_bounds = array<i64: 1, 128>}, {pipeline_mode = #tpu.pipeline_mode<synchronous>, transform_indices = @transform_4, window_bounds = array<i64: 128, 128>}, {pipeline_mode = #tpu.pipeline_mode<synchronous>, transform_indices = @transform_5, window_bounds = array<i64: 1, 128>}, {transform_indices = @transform_6, window_bounds = array<i64: 1000, 128>}, {transform_indices = @transform_7, window_bounds = array<i64: 1000, 128>}]} {
    %get3A = arith.constant 0 : index
    %get3A_0 = arith.constant 0 : index
    %get3A_1 = vector.load %arg2[%get3A, %get3A_0] : memref<1000x1xf32, #tpu.memory_space<vmem>>, vector<1000x1xf32>
    %get3A_2 = arith.constant 0 : index
    %get3A_3 = arith.constant 0 : index
    %get3A_4 = arith.constant 0 : index
    %get3A_5 = vector.load %arg1[%get3A_2, %get3A_3, %get3A_4] : memref<2x1000x128xf32, #tpu.memory_space<vmem>>, vector<1x1000x128xf32>
    %get3A_6 = vector.shape_cast %get3A_5 : vector<1x1000x128xf32> to vector<1000x128xf32>
    %get3A_7 = arith.constant 1 : index
    %get3A_8 = arith.constant 0 : index
    %get3A_9 = arith.constant 0 : index
    %get3A_10 = vector.load %arg1[%get3A_7, %get3A_8, %get3A_9] : memref<2x1000x128xf32, #tpu.memory_space<vmem>>, vector<1x1000x128xf32>
    %get3A_11 = vector.shape_cast %get3A_10 : vector<1x1000x128xf32> to vector<1000x128xf32>
    %add3A = arith.addf %get3A_6, %get3A_11 : vector<1000x128xf32>
    %get3A_12 = arith.constant 0 : index
    %get3A_13 = arith.constant 0 : index
    %get3A_14 = vector.load %arg3[%get3A_12, %get3A_13] : memref<1000x128xf32, #tpu.memory_space<vmem>>, vector<1000x128xf32>
    %mul3A = vector.broadcast %get3A_1 : vector<1000x1xf32> to vector<1000x128xf32>
    %mul3A_15 = arith.mulf %mul3A, %get3A_14 : vector<1000x128xf32>
    %add3A_16 = arith.addf %add3A, %mul3A_15 : vector<1000x128xf32>
    %mul3A_17 = vector.broadcast %get3A_1 : vector<1000x1xf32> to vector<1000x128xf32>
    %mul3A_18 = arith.mulf %mul3A_17, %add3A_16 : vector<1000x128xf32>
    %get3A_19 = arith.constant 0 : index
    %get3A_20 = arith.constant 0 : index
    %get3A_21 = vector.load %arg4[%get3A_19, %get3A_20] : memref<1x128xf32, #tpu.memory_space<vmem>>, vector<1x128xf32>
    %add3A_22 = vector.broadcast %get3A_21 : vector<1x128xf32> to vector<1000x128xf32>
    %add3A_23 = arith.addf %mul3A_18, %add3A_22 : vector<1000x128xf32>
    %max3A = arith.constant 0.000000e+00 : f32
    %max3A_24 = vector.broadcast %max3A : f32 to vector<1000x128xf32>
    %max3A_25 = arith.maximumf %add3A_23, %max3A_24 : vector<1000x128xf32>
    %get3A_26 = arith.constant 0 : index
    %get3A_27 = arith.constant 0 : index
    %get3A_28 = vector.load %arg5[%get3A_26, %get3A_27] : memref<128x128xf32, #tpu.memory_space<vmem>>, vector<128x128xf32>
    %dot_general3A = arith.constant dense<0.000000e+00> : vector<1000x128xf32>
    %dot_general3A_29 = tpu.matmul %max3A_25, %get3A_28, %dot_general3A {dimension_numbers = #tpu.dot_dimension_numbers<[1], [0], [0], [1], [0, 0, 1, 1], [], []>, transpose_lhs_hint = false} : vector<1000x128xf32>, vector<128x128xf32>, vector<1000x128xf32> -> vector<1000x128xf32>
    %get3A_30 = arith.constant 0 : index
    %get3A_31 = arith.constant 0 : index
    %get3A_32 = vector.load %arg6[%get3A_30, %get3A_31] : memref<1x128xf32, #tpu.memory_space<vmem>>, vector<1x128xf32>
    %add3A_33 = vector.broadcast %get3A_32 : vector<1x128xf32> to vector<1000x128xf32>
    %add3A_34 = arith.addf %dot_general3A_29, %add3A_33 : vector<1000x128xf32>
    %swap3A = arith.constant 0 : index
    %swap3A_35 = arith.constant 0 : index
    %swap3A_36 = vector.load %arg7[%swap3A, %swap3A_35] : memref<1000x128xf32, #tpu.memory_space<vmem>>, vector<1000x128xf32>
    tpu.vector_store %arg7[%swap3A, %swap3A_35], %add3A_34 {strides = array<i32>} : memref<1000x128xf32, #tpu.memory_space<vmem>>, vector<1000x128xf32>,
    %mul3A_37 = vector.broadcast %get3A_1 : vector<1000x1xf32> to vector<1000x128xf32>
    %mul3A_38 = arith.mulf %mul3A_37, %add3A_34 : vector<1000x128xf32>
    %swap3A_39 = arith.constant 0 : index
    %swap3A_40 = arith.constant 0 : index
    %swap3A_41 = vector.load %arg8[%swap3A_39, %swap3A_40] : memref<1000x128xf32, #tpu.memory_space<vmem>>, vector<1000x128xf32>
    tpu.vector_store %arg8[%swap3A_39, %swap3A_40], %mul3A_38 {strides = array<i32>} : memref<1000x128xf32, #tpu.memory_space<vmem>>, vector<1000x128xf32>,
    return
  }
  func.func @transform_0(%arg0: i32) -> (i32, i32, i32) {
    %c0_i32 = arith.constant 0 : i32
    %c0_i32_0 = arith.constant 0 : i32
    %c0_i32_1 = arith.constant 0 : i32
    return %c0_i32, %arg0, %c0_i32_0 : i32, i32, i32
  }
  func.func @transform_1(%arg0: i32) -> (i32, i32) {
    %c0_i32 = arith.constant 0 : i32
    %c0_i32_0 = arith.constant 0 : i32
    return %arg0, %c0_i32 : i32, i32
  }
  func.func @transform_2(%arg0: i32) -> (i32, i32) {
    %c0_i32 = arith.constant 0 : i32
    %c0_i32_0 = arith.constant 0 : i32
    return %arg0, %c0_i32 : i32, i32
  }
  func.func @transform_3(%arg0: i32) -> (i32, i32) {
    %c0_i32 = arith.constant 0 : i32
    %c0_i32_0 = arith.constant 0 : i32
    %c0_i32_1 = arith.constant 0 : i32
    return %c0_i32, %c0_i32_0 : i32, i32
  }
  func.func @transform_4(%arg0: i32) -> (i32, i32) {
    %c0_i32 = arith.constant 0 : i32
    %c0_i32_0 = arith.constant 0 : i32
    %c0_i32_1 = arith.constant 0 : i32
    return %c0_i32, %c0_i32_0 : i32, i32
  }
  func.func @transform_5(%arg0: i32) -> (i32, i32) {
    %c0_i32 = arith.constant 0 : i32
    %c0_i32_0 = arith.constant 0 : i32
    %c0_i32_1 = arith.constant 0 : i32
    return %c0_i32, %c0_i32_0 : i32, i32
  }
  func.func @transform_6(%arg0: i32) -> (i32, i32) {
    %c0_i32 = arith.constant 0 : i32
    %c0_i32_0 = arith.constant 0 : i32
    return %arg0, %c0_i32 : i32, i32
  }
  func.func @transform_7(%arg0: i32) -> (i32, i32) {
    %c0_i32 = arith.constant 0 : i32
    %c0_i32_0 = arith.constant 0 : i32
    return %arg0, %c0_i32 : i32, i32
  }
}

</mosaic_0001>

<sc_bundles>
// kernel: kernel.11.cloned.1.call-start
scs
__scs_entry_jumppad:
0x0: {  	(pc) =	sbr.rel $0x88, $3  }
0x1: {  	(tag) =	ssettag $0x0;
	lr =	simm.s32 $0x1  }
0x2: {  	[smem:$0x3F99] =	sst lr;
	_ =	strace $0xD0000000  }
0x3: {  	_ = 	snop  }
0x4: {  	_ = 	snop  }
0x5: {  	_ = 	snop  }
0x6: {  	_ = 	snop  }
0x7: {  	_ = 	snop  }
__scs_overlays_trampoline_lowered:
0x8: {  	[smem:$0x3FA8] =	sst s0  }
0x9: {  	[smem:$0x3FA9] =	sst s1  }
0xa: {  	[smem:$0x3FAA] =	sst s2  }
0xb: {  	[smem:$0x3FAB] =	sst s3  }
0xc: {  	[smem:$0x3FAC] =	sst s4  }
0xd: {  	[smem:$0x3FAD] =	sst s5  }
0xe: {  	[smem:$0x3FAE] =	sst s6  }
0xf: {  	[smem:$0x3FAF] =	sst s7  }
0x10: {  	[smem:$0x3FB0] =	sst s8  }
0x11: {  	[smem:$0x3FB1] =	sst s9;
	s0 =	simm.s32 @!p0 $0x0  }
0x12: {  	s1 =	sld [smem:$0x3F97];
	s0 =	simm.s32 @p0 $0x1  }
0x13: {  	[smem:$0x3FB2] =	sst s0;
	s0 =	simm.s32 @!p1 $0x0  }
0x14: {  	s2 =	sld [smem:$0x3F96];
	s0 =	simm.s32 @p1 $0x1  }
0x15: {  	[smem:$0x3FB3] =	sst s0;
	s0 =	simm.s32 @!p2 $0x0  }
0x16: {  	s3 =	sld [smem:$0x3FDB];
	s0 =	simm.s32 @p2 $0x1  }
0x17: {  	s4 =	simm.s32 $0x1BF5;
	[smem:$0x3FB5] =	sst s0  }
0x18: {  	s0 =	sld [smem:$0x3F98];
	_ =	swait.ge [sflag:s4], $0x0  }
0x19: {  	s7 =	sld [smem:$0x3F99]  }
0x1a: {  	s8 =	sadd.s32 $0xFFFFE003, lr  }
0x1b: {  	s9 =	sadd.s32 $0xFFFFFEF7, lr;
	s5 =	simm.s32 $0xFFFFFFFF;
	p2 =	slt.u32 s8, $0xFFFFF086  }
0x1c: {  	p1 =	slt.u32 s9, $0xF7A;
	s5 =	simm.s32 @!p2 $0x0  }
0x1d: {  	s5 =	simm.s32 @p1 $0x1;
	p0 =	seq.s32 s7, s2  }
0x1e: {  	s7 =	smul.u32 @!p0 $0xF7A, s2;
	p2 =	seq.s32 @!p0 s5, $0x0  }
0x1f: {  	s9 =	smul.u32 $0xF7A, s1;
	s8 =	simm.s32 @!p0 $0x1BF5;
	p2 =	por !p2, p0  }
0x20: {  	[sflag:s8] =	ssyncset.s32 @!p0 $0xFFFFF086;
	s6 =	sadd.s32 @!p0 s3, s7;
	s7 =	simm.s32 @!p0 $0x108  }
0x21: {  	s3 =	sadd.s32 s3, s9;
	s6 =	sadd.s32 @!p0 $0x88, s6;
	s7 =	simm.s32 @p2 $0x1082  }
0x22: {  	[simem:s7], [sflag:s8] =	dma.local @!p0 [hbm:s6], $0xF7A  }
0x23: {  	s9 =	sor.u32 $0xD0000000, s2;
	s6 =	simm.s32 $0x108;
	_ =	swait.ge @!p0 [sflag:s8], $0x0  }
0x24: {  	s3 =	sadd.s32 $0x88, s3;
	s6 =	simm.s32 @!p1 $0x1082;
	[sflag:s4] =	ssyncset.s32 $0xFFFFF086  }
0x25: {  	[simem:s6], [sflag:s4] =	dma.local [hbm:s3], $0xF7A  }
0x26: {  	[smem:$0x3F99] =	sst s1;
	(tag) =	ssettag s2;
	_ =	strace s9  }
0x27: {  	s1 =	sld [smem:$0x3FA9]  }
0x28: {  	s2 =	sld [smem:$0x3FAA]  }
0x29: {  	s4 =	sld [smem:$0x3FAC]  }
0x2a: {  	p0 =	seq.s32 s5, $0x0;
	s5 =	sld [smem:$0x3FAD]  }
0x2b: {  	s6 =	sld [smem:$0x3FAE]  }
0x2c: {  	s7 =	sld [smem:$0x3FAF]  }
0x2d: {  	s3 =	simm.s32 $0x108;
	s8 =	sld [smem:$0x3FB0]  }
0x2e: {  	s3 =	simm.s32 @!p0 $0x1082;
	s9 =	sld [smem:$0x3FB1]  }
0x2f: {  	lr =	sadd.s32 s0, s3;
	s0 =	sld [smem:$0x3FA8]  }
0x30: {  	s3 =	sld [smem:$0x3FAB]  }
0x31: {  	[smem:$0x3FB4] =	sst s10  }
0x32: {  	s10 =	sld [smem:$0x3FB2];
	_ =	sdelay $0x3  }
0x33: {  	p0 =	seq.s32 s10, $0x1;
	s10 =	sld [smem:$0x3FB4];
	_ =	sdelay $0x3  }
0x34: {  	[smem:$0x3FB4] =	sst s10  }
0x35: {  	s10 =	sld [smem:$0x3FB3];
	_ =	sdelay $0x3  }
0x36: {  	p1 =	seq.s32 s10, $0x1;
	s10 =	sld [smem:$0x3FB4];
	_ =	sdelay $0x3  }
0x37: {  	[smem:$0x3FB4] =	sst s10  }
0x38: {  	s10 =	sld [smem:$0x3FB5]  }
0x39: {  	_ = 	snop;
	(pc) =	sbr.ind lr, $3  }
0x3a: {  	_ = 	snop  }
0x3b: {  	_ = 	snop  }
0x3c: {  	p2 =	seq.s32 s10, $0x1;
	s10 =	sld [smem:$0x3FB4]  }
0x3d: {  	_ =	shalt  }
0x3e: {  	_ =	shalt  }
0x3f: {  	_ =	shalt  }
0x40: {  	_ =	shalt  }
0x41: {  	_ =	shalt  }
0x42: {  	_ =	shalt  }
0x43: {  	_ =	shalt  }
0x44: {  	_ =	shalt  }
0x45: {  	_ =	shalt  }
0x46: {  	_ =	shalt  }
0x47: {  	_ =	shalt  }
0x48: {  	_ =	shalt  }
0x49: {  	_ =	shalt  }
0x4a: {  	_ =	shalt  }
0x4b: {  	_ =	shalt  }
0x4c: {  	_ =	shalt  }
0x4d: {  	_ =	shalt  }
0x4e: {  	_ =	shalt  }
0x4f: {  	_ =	shalt  }
0x50: {  	_ =	shalt  }
0x51: {  	_ =	shalt  }
0x52: {  	_ =	shalt  }
0x53: {  	_ =	shalt  }
0x54: {  	_ =	shalt  }
0x55: {  	_ =	shalt  }
0x56: {  	_ =	shalt  }
0x57: {  	_ =	shalt  }
0x58: {  	_ =	shalt  }
0x59: {  	_ =	shalt  }
0x5a: {  	_ =	shalt  }
0x5b: {  	_ =	shalt  }
0x5c: {  	_ =	shalt  }
0x5d: {  	_ =	shalt  }
0x5e: {  	_ =	shalt  }
0x5f: {  	_ =	shalt  }
0x60: {  	_ =	shalt  }
0x61: {  	_ =	shalt  }
0x62: {  	_ =	shalt  }
0x63: {  	_ =	shalt  }
0x64: {  	_ =	shalt  }
0x65: {  	_ =	shalt  }
0x66: {  	_ =	shalt  }
0x67: {  	_ =	shalt  }
0x68: {  	_ =	shalt  }
0x69: {  	_ =	shalt  }
0x6a: {  	_ =	shalt  }
0x6b: {  	_ =	shalt  }
0x6c: {  	_ =	shalt  }
0x6d: {  	_ =	shalt  }
0x6e: {  	_ =	shalt  }
0x6f: {  	_ =	shalt  }
0x70: {  	_ =	shalt  }
0x71: {  	_ =	shalt  }
0x72: {  	_ =	shalt  }
0x73: {  	_ =	shalt  }
0x74: {  	_ =	shalt  }
0x75: {  	_ =	shalt  }
0x76: {  	_ =	shalt  }
0x77: {  	_ =	shalt  }
0x78: {  	_ =	shalt  }
0x79: {  	_ =	shalt  }
0x7a: {  	_ =	shalt  }
0x7b: {  	_ =	shalt  }
0x7c: {  	_ =	shalt  }
0x7d: {  	_ =	shalt  }
0x7e: {  	_ =	shalt  }
0x7f: {  	_ =	shalt  }
0x80: {  	_ =	shalt  }
0x81: {  	_ =	shalt  }
0x82: {  	_ =	shalt  }
0x83: {  	_ =	shalt  }
0x84: {  	_ =	shalt  }
0x85: {  	_ =	shalt  }
0x86: {  	_ =	shalt  }
0x87: {  	_ =	shalt  }
.Lfunc_end0:
.L_simem_size_0:
called_computation.1_lowered:
.L_overlay_start_0:
0x88: {  	s2 =	sld [smem:$0x3FD9]  }
0x89: {  	s3 =	sld [smem:$0x3FFE];
	_ =	sdelay $0x1  }
0x8a: {  	s1 =	srdreg.scid  }
0x8b: {  	s0 =	sand.u32 $0x1, s1  }
0x8c: {  	s17 =	sshll.u32 s0, $0xA;
	s2 =	sadd.s32 s3, s2  }
0x8d: {  	s2 =	sadd.s32 s2, s17  }
0x8e: {  	[smem:$0x3FC0] =	sst s2  }
0x8f: {  	_ = 	snop  }
0x90: {  	s2 =	sld [smem:$0x3FD0];
	(tm) =	ssettm $0x1  }
0x91: {  	s18 =	sld [smem:$0x3FFB];
	_ =	sdelay $0x3  }
0x92: {  	_ =	strace s18  }
0x93: {  	s3 =	sld [smem:$0x3FFC];
	_ =	sdelay $0x3  }
0x94: {  	_ =	strace s3  }
0x95: {  	s3 =	sld [smem:$0x3FFD];
	_ =	sdelay $0x3  }
0x96: {  	_ =	strace s3  }
0x97: {  	_ =	strace $0x8FFFFFFF  }
0x98: {  	s19 =	sld [smem:$0x3FDB];
	_ =	sdelay $0x1  }
0x99: {  	s4 =	simm.s32 $_scs_section_size  }
0x9a: {  	s5 =	simm.s32 $_size__tile_overlayer_lowered;
	s6 =	simm.s32 $_tile_overlayer_lowered  }
0x9b: {  	s22 =	simm.s32 $0x1BFF;
	s21 =	sshll.u32 s6, $0x1;
	s3 =	sadd.s32 s4, s19  }
0x9c: {  	s7 =	simm.s32 $0x0;
	s20 =	sshll.u32 s5, $0x1;
	s5 =	sadd.s32 s21, s3  }
0x9d: {  	[timem:s7], [sflag:s22] =	dma.local [hbm:s5], s20  }
0x9e: {  	_ =	swait.ge [sflag:s22], s20  }
0x9f: {  	s4 =	ssub.s32 $0x0, s20;
	[sflag:s22] =	ssyncset.done $0x0  }
0xa0: {  	[sflag:s22] =	ssyncadd.s32 s4;
	_ =	sdelay $0x1  }
0xa1: {  	s23 =	simm.s32 $0x1B8B  }
0xa2: {  	_ =	swait.ge [sflag:s23], $0x1  }
0xa3: {  	[sflag:s23] =	ssyncset.done $0x0  }
0xa4: {  	s25 =	simm.s32 $0x1B8E;
	s24 =	sld [smem:$0x3FFE];
	[sflag:s23] =	ssyncadd.s32 $0xFFFFFFFF  }
0xa5: {  	s26 =	simm.s32 $execute0_lowered;
	[smem:$0x3FD2] =	sst s25  }
0xa6: {  	s5 =	sshll.u32 s26, $0x1;
	_ =	strace $0x80000049;
	[dreg:$0x1] =	wrdreg $0xFFFFFFFF  }
0xa7: {  	s28 =	simm.s32 $_size_execute0_lowered;
	s3 =	sadd.s32 s3, s5;
	[dreg:$0x0] =	wrdreg $0x0  }
0xa8: {  	s5 =	sshll.u32 s28, $0x1;
	[dreg:$0x2] =	wrdreg s3  }
0xa9: {  	[dreg:$0x3] =	wrdreg s5  }
0xaa: {  	[dreg:$0x4] =	wrdreg $0xC0  }
0xab: {  	_ =	task [dreg:s7], $0x5FFFF  }
0xac: {  	[dreg:$0x1] =	wrdreg $0xFFFFFFFF  }
0xad: {  	[dreg:$0x0] =	wrdreg $0x60  }
0xae: {  	[dreg:$0x2] =	wrdreg s24  }
0xaf: {  	[dreg:$0x3] =	wrdreg s2  }
0xb0: {  	[dreg:$0x4] =	wrdreg $0xA8000  }
0xb1: {  	[dreg:$0x5] =	wrdreg $0x9  }
0xb2: {  	_ =	task.clear_ibuf [dreg:s7], $0x6FFFF;
	_ =	strace $0x90000049  }
0xb3: {  	s29 =	simm.s32 $0x9;
	_ =	strace $0x8000004B  }
0xb4: {  	_ =	swait.ge [sflag:s29], $0x1  }
0xb5: {  	[sflag:s29] =	ssyncadd.s32 $0xFFFFFFFF  }
0xb6: {  	_ =	strace $0x9000004B  }
0xb7: {  	_ =	sfence  }
0xb8: {  	s30 =	sld [smem:$0x0];
	_ =	sdelay $0x2  }
0xb9: {  	s31 =	sshll.u32 s1, $0xD;
	s1 =	sshrl.u32 s1, $0x2  }
0xba: {  	s3 =	sand.u32 $0x4000, s31;
	s1 =	sadd.s32 s1, s30  }
0xbb: {  	s0 =	sor.u32 s3, s0;
	s1 =	sshll.u32 s1, $0x11  }
0xbc: {  	s0 =	sor.u32 s1, s0  }
0xbd: {  	s0 =	sadd.s32 $0x8F2B, s0  }
0xbe: {  	[sflag:s0] =	ssyncadd.remote.s32 $0x1  }
0xbf: {  	_ =	sfence.sel $0xFFFF  }
0xc0: {  	[dreg:$0x0] =	wrdreg $0xFFFFFFFF;
	(pc) =	sbr.abs _section_cstart, $3  }
0xc1: {  	[dreg:$0x1] =	wrdreg $0xFFFFFFFF  }
0xc2: {  	_ =	task.clear_ibuf [dreg:s7], $0x2FFFF;
	_ =	strace $0x9FFFFFFF  }
0xc3: {  	(tm) =	ssettm $0x7FFFFFFF  }
tec
execute0_lowered:
.L_overlay_start_1:
0x0: {  	(tag) =	ssettag $0x1  }
0x1: {  	s4 =	rddreg [dreg:$0x0]  }
0x2: {  	s11 =	rddreg [dreg:$0x1]  }
0x3: {  	s1 =	rddreg [dreg:$0x2];
	s2 =	simm.s32 $0x0  }
0x4: {  	s6 =	srdreg.scid;
	s18 =	simm.s32 $0x80;
	s19 =	simm.s32 $0x2800  }
0x5: {  	s20 =	simm.s32 $0x6800;
	s21 =	simm.s32 $0x1;
	s22 =	simm.s32 $0x2  }
0x6: {  	s23 =	simm.s32 $0x1380;
	s3 =	sadd.s32 $0xEC00, s4;
	s10 =	sadd.s32 $0x2400, s4  }
0x7: {  	s5 =	sadd.s32 $0xC400, s4;
	s13 =	sadd.s32 $0x35E00, s4;
	s4 =	stileid.u32  }
0x8: {  	s24 =	simm.s32 $0x2700;
	s25 =	simm.s32 $0x2780;
	s9 =	smul.u32 $0x4F000, s4  }
0x9: {  	[smem:$0x7FF] =	sst s2;
	s8 =	sand.u32 $0x1, s6;
	s14 =	smul.u32 $0x2780, s4  }
0xa: {  	_ =	strace $0x8000004A;
	s6 =	ssub.s32 $0x2, s8;
	s30 =	smul.u32 $0x27100, s8  }
0xb: {  	s7 =	sshll.u32 s8, $0x4;
	s29 =	sshll.u32 s4, $0x6;
	s17 =	smul.u32 $0x138800, s8  }
0xc: {  	p0 =	seq.s32 s4, $0xF;
	s12 =	sshrl.u32 s6, $0x1;
	s7 =	sor.u32 s4, s7  }
0xd: {  	s15 =	ssub.s32 s6, s12;
	s26 =	sshrl.u32 s9, $0x2;
	s28 =	smul.u32 $0x2800, s7  }
0xe: {  	s7 =	sor.u32 $0x1C03, s29;
	s12 =	sadd.s32 s14, s30;
	s31 =	sshrl.u32 s17, $0x3  }
0xf: {  	s17 =	simm.s32 $0x1400;
	s6 =	sadd.s32 s26, s1;
	s12 =	sadd.s32 s13, s12  }
0x10: {  	s13 =	sadd.s32 s13, s31;
	s14 =	smax.u32 s15, $0x1;
	s26 =	simm.s32 $0x0  }
0x11: {  	s16 =	sshrl.u32 s28, $0x3;
	s13 =	sadd.s32 $0x25080, s13;
	s15 =	sshrl.u32 s6, $0x3  }
0x12: {  	s8 =	sadd.s32 s10, s16;
	s9 =	sadd.s32 s11, s16;
	s16 =	sadd.s32 $0x280, s16  }
0x13: {  	s10 =	sadd.s32 s10, s16;
	s11 =	sadd.s32 s11, s16;
	s16 =	simm.s32 $0x3  }
.LBB2_1:
0x14: {  	[spmem:s15], [sflag:s7] =	dma.local [hbm:s5], $0x2780  }
0x15: {  	_ =	swait.ge [sflag:s16], $0x2780  }
0x16: {  	[sflag:s16] =	ssyncset.done $0x0  }
0x17: {  	[sflag:s16] =	ssyncadd.s32 $0xFFFFD880  }
0x18: {  	[bflag:$0x0] =	sbarrier.arrive $0xFFFF  }
0x19: {  	[tilespmem:s2], [sflag:$0x3] =	stream.linear.gather [hbm4b:s8+s2], $0x1400, $0x38;
	[tilespmem:$0x1E400] =	vst v63  }
0x1a: {  	_ =	swait.ge [sflag:s16], $0x1400  }
0x1b: {  	[sflag:s16] =	ssyncset.done $0x0  }
0x1c: {  	[sflag:s16] =	ssyncadd.s32 $0xFFFFEC00  }
0x1d: {  	[tilespmem:s17], [sflag:$0x3] =	stream.linear.gather [hbm4b:s9+s2], $0x1400, $0x38;
	[tilespmem:$0x1E400] =	vst v63  }
0x1e: {  	_ =	swait.ge [sflag:s16], $0x1400  }
0x1f: {  	[sflag:s16] =	ssyncset.done $0x0  }
0x20: {  	[sflag:s16] =	ssyncadd.s32 $0xFFFFEC00  }
0x21: {  	[tilespmem:s19], [sflag:$0x1] =	stream.indirect.gather [hbm4b:s3+s18], $0x80, s2, s18, $0xb8;
	[tilespmem:$0x1E400] =	vst v63  }
0x22: {  	s28 =	simm.s32 $0x80  }
0x23: {  	[tilespmem:s20], [sflag:$0x2] =	stream.indirect.gather [hbm4b:s3+s18], $0x80, s28, s18, $0xb8;
	[tilespmem:$0x1E400] =	vst v63  }
0x24: {  	_ =	swait.ge [sflag:s21], $0x4000  }
0x25: {  	[sflag:s21] =	ssyncset.done $0x0  }
0x26: {  	s28 =	simm.s32 $0x1400;
	[sflag:s21] =	ssyncadd.s32 $0xFFFFC000  }
0x27: {  	[spmem:s1] =	stream.indirect.scatter.add.f32 [tilespmem:s19], [sflag:$0x3], $0x80, s28, s18, $0xb8;
	[tilespmem:$0x1E400] =	vst v63  }
0x28: {  	_ =	swait.ge [sflag:s16], $0x4000  }
0x29: {  	[sflag:s16] =	ssyncset.done $0x0  }
0x2a: {  	s28 =	simm.s32 $0x100;
	[sflag:s16] =	ssyncadd.s32 $0xFFFFC000  }
0x2b: {  	[tilespmem:s19], [sflag:$0x1] =	stream.indirect.gather [hbm4b:s3+s18], $0x80, s28, s18, $0xb8;
	[tilespmem:$0x1E400] =	vst v63  }
0x2c: {  	_ =	swait.ge [sflag:s22], $0x4000  }
0x2d: {  	[sflag:s22] =	ssyncset.done $0x0  }
0x2e: {  	s28 =	simm.s32 $0x1480;
	[sflag:s22] =	ssyncadd.s32 $0xFFFFC000  }
0x2f: {  	[spmem:s1] =	stream.indirect.scatter.add.f32 [tilespmem:s20], [sflag:$0x3], $0x80, s28, s18, $0xb8;
	[tilespmem:$0x1E400] =	vst v63  }
0x30: {  	_ =	swait.ge [sflag:s16], $0x4000  }
0x31: {  	s29 =	simm.s32 $0x800;
	s28 =	simm.s32 $0x100;
	[sflag:s16] =	ssyncset.done $0x0  }
.LBB2_2:
0x32: {  	s30 =	sadd.s32 $0x80, s28  }
0x33: {  	[sflag:s16] =	ssyncadd.s32 $0xFFFFC000;
	s31 =	smov.u32 s29;
	s0 =	sadd.s32 $0x400, s29  }
0x34: {  	[tilespmem:s20], [sflag:$0x2] =	stream.indirect.gather [hbm4b:s3+s18], $0x80, s30, s18, $0xb8;
	[tilespmem:$0x1E400] =	vst v63  }
0x35: {  	p1 =	sne.s32 s29, $0x4800;
	_ =	swait.ge [sflag:s21], $0x4000  }
0x36: {  	[sflag:s21] =	ssyncset.done $0x0  }
0x37: {  	s29 =	sadd.s32 $0x1400, s28;
	[sflag:s21] =	ssyncadd.s32 $0xFFFFC000  }
0x38: {  	[spmem:s1] =	stream.indirect.scatter.add.f32 [tilespmem:s19], [sflag:$0x3], $0x80, s29, s18, $0xb8;
	[tilespmem:$0x1E400] =	vst v63  }
0x39: {  	_ =	swait.ge [sflag:s16], $0x4000  }
0x3a: {  	[sflag:s16] =	ssyncset.done $0x0  }
0x3b: {  	s29 =	sadd.s32 $0x100, s28;
	[sflag:s16] =	ssyncadd.s32 $0xFFFFC000  }
0x3c: {  	[tilespmem:s19], [sflag:$0x1] =	stream.indirect.gather [hbm4b:s3+s18], $0x80, s29, s18, $0xb8;
	[tilespmem:$0x1E400] =	vst v63  }
0x3d: {  	_ =	swait.ge [sflag:s22], $0x4000  }
.Ltmp0:
0x3e: {  	[sflag:s22] =	ssyncset.done $0x0;
	(pc) =	sbr.rel @p1 .LBB2_2-.Ltmp0, $4  }
0x3f: {  	s28 =	sadd.s32 $0x1480, s28;
	[sflag:s22] =	ssyncadd.s32 $0xFFFFC000  }
0x40: {  	[spmem:s1] =	stream.indirect.scatter.add.f32 [tilespmem:s20], [sflag:$0x3], $0x80, s28, s18, $0xb8;
	[tilespmem:$0x1E400] =	vst v63  }
0x41: {  	_ =	swait.ge [sflag:s16], $0x4000  }
0x42: {  	s29 =	smov.u32 s0;
	s28 =	sshra.s32 s31, $0x2;
	[sflag:s16] =	ssyncset.done $0x0  }
0x43: {  	s0 =	sadd.s32 $0x80, s28;
	[sflag:s16] =	ssyncadd.s32 $0xFFFFC000  }
0x44: {  	[tilespmem:s20], [sflag:$0x2] =	stream.indirect.gather [hbm4b:s3+s18], $0x80, s0, s18, $0xb8;
	[tilespmem:$0x1E400] =	vst v63  }
0x45: {  	_ =	swait.ge [sflag:s21], $0x4000  }
0x46: {  	[sflag:s21] =	ssyncset.done $0x0  }
0x47: {  	s30 =	sadd.s32 $0x1400, s28;
	[sflag:s21] =	ssyncadd.s32 $0xFFFFC000  }
0x48: {  	[spmem:s1] =	stream.indirect.scatter.add.f32 [tilespmem:s19], [sflag:$0x3], $0x80, s30, s18, $0xb8;
	[tilespmem:$0x1E400] =	vst v63  }
0x49: {  	_ =	swait.ge [sflag:s16], $0x4000  }
0x4a: {  	[sflag:s16] =	ssyncset.done $0x0  }
0x4b: {  	s31 =	sadd.s32 $0x100, s28;
	[sflag:s16] =	ssyncadd.s32 $0xFFFFC000  }
0x4c: {  	[tilespmem:s19], [sflag:$0x1] =	stream.indirect.gather [hbm4b:s3+s18], $0x80, s31, s18, $0xb8;
	[tilespmem:$0x1E400] =	vst v63  }
0x4d: {  	_ =	swait.ge [sflag:s22], $0x4000  }
0x4e: {  	[sflag:s22] =	ssyncset.done $0x0  }
0x4f: {  	s30 =	sadd.s32 $0x1480, s28;
	[sflag:s22] =	ssyncadd.s32 $0xFFFFC000  }
0x50: {  	[spmem:s1] =	stream.indirect.scatter.add.f32 [tilespmem:s20], [sflag:$0x3], $0x80, s30, s18, $0xb8;
	[tilespmem:$0x1E400] =	vst v63  }
0x51: {  	_ =	swait.ge [sflag:s16], $0x4000  }
0x52: {  	[sflag:s16] =	ssyncset.done $0x0  }
0x53: {  	[sflag:s16] =	ssyncadd.s32 $0xFFFFC000  }
0x54: {  	[tilespmem:s20], [sflag:$0x2] =	stream.indirect.gather [hbm4b:s3+s18], $0x80, s23, s18, $0xb8;
	[tilespmem:$0x1E400] =	vst v63  }
0x55: {  	_ =	swait.ge [sflag:s21], $0x4000  }
0x56: {  	[sflag:s21] =	ssyncset.done $0x0  }
0x57: {  	[sflag:s21] =	ssyncadd.s32 $0xFFFFC000  }
0x58: {  	[spmem:s1] =	stream.indirect.scatter.add.f32 [tilespmem:s19], [sflag:$0x3], $0x80, s24, s18, $0xb8;
	[tilespmem:$0x1E400] =	vst v63  }
0x59: {  	_ =	swait.ge [sflag:s16], $0x4000  }
0x5a: {  	[sflag:s16] =	ssyncset.done $0x0  }
0x5b: {  	[sflag:s16] =	ssyncadd.s32 $0xFFFFC000  }
0x5c: {  	_ =	swait.ge [sflag:s22], $0x4000  }
0x5d: {  	[sflag:s22] =	ssyncset.done $0x0  }
0x5e: {  	[sflag:s22] =	ssyncadd.s32 $0xFFFFC000  }
0x5f: {  	[spmem:s1] =	stream.indirect.scatter.add.f32 [tilespmem:s20], [sflag:$0x3], $0x80, s25, s18, $0xb8;
	[tilespmem:$0x1E400] =	vst v63  }
0x60: {  	_ =	swait.ge [sflag:s16], $0x4000  }
0x61: {  	[sflag:s16] =	ssyncset.done $0x0  }
0x62: {  	s31 =	simm.s32 $0x0;
	[sflag:s16] =	ssyncadd.s32 $0xFFFFC000  }
0x63: {  	[tilespmem:s31], [sflag:$0x3] =	stream.linear.gather [hbm4b:s10+s31], $0x1400, $0x38;
	[tilespmem:$0x1E400] =	vst v63  }
0x64: {  	_ =	swait.ge [sflag:s16], $0x1400  }
0x65: {  	[sflag:s16] =	ssyncset.done $0x0  }
0x66: {  	[sflag:s16] =	ssyncadd.s32 $0xFFFFEC00  }
0x67: {  	[tilespmem:s17], [sflag:$0x3] =	stream.linear.gather [hbm4b:s11+s31], $0x1400, $0x38;
	[tilespmem:$0x1E400] =	vst v63  }
0x68: {  	_ =	swait.ge [sflag:s16], $0x1400  }
0x69: {  	[sflag:s16] =	ssyncset.done $0x0  }
0x6a: {  	[sflag:s16] =	ssyncadd.s32 $0xFFFFEC00  }
0x6b: {  	[tilespmem:s19], [sflag:$0x1] =	stream.indirect.gather [hbm4b:s3+s18], $0x80, s31, s18, $0xb8;
	[tilespmem:$0x1E400] =	vst v63  }
0x6c: {  	s30 =	simm.s32 $0x80  }
0x6d: {  	[tilespmem:s20], [sflag:$0x2] =	stream.indirect.gather [hbm4b:s3+s18], $0x80, s30, s18, $0xb8;
	[tilespmem:$0x1E400] =	vst v63  }
0x6e: {  	_ =	swait.ge [sflag:s21], $0x4000  }
0x6f: {  	[sflag:s21] =	ssyncset.done $0x0  }
0x70: {  	s31 =	simm.s32 $0x1400;
	[sflag:s21] =	ssyncadd.s32 $0xFFFFC000  }
0x71: {  	[spmem:s1] =	stream.indirect.scatter.add.f32 [tilespmem:s19], [sflag:$0x3], $0x80, s31, s18, $0xb8;
	[tilespmem:$0x1E400] =	vst v63  }
0x72: {  	_ =	swait.ge [sflag:s16], $0x4000  }
0x73: {  	[sflag:s16] =	ssyncset.done $0x0  }
0x74: {  	s30 =	simm.s32 $0x100;
	[sflag:s16] =	ssyncadd.s32 $0xFFFFC000  }
0x75: {  	[tilespmem:s19], [sflag:$0x1] =	stream.indirect.gather [hbm4b:s3+s18], $0x80, s30, s18, $0xb8;
	[tilespmem:$0x1E400] =	vst v63  }
0x76: {  	_ =	swait.ge [sflag:s22], $0x4000  }
0x77: {  	[sflag:s22] =	ssyncset.done $0x0  }
0x78: {  	s31 =	simm.s32 $0x1480;
	[sflag:s22] =	ssyncadd.s32 $0xFFFFC000  }
0x79: {  	[spmem:s1] =	stream.indirect.scatter.add.f32 [tilespmem:s20], [sflag:$0x3], $0x80, s31, s18, $0xb8;
	[tilespmem:$0x1E400] =	vst v63  }
0x7a: {  	_ =	swait.ge [sflag:s16], $0x4000  }
0x7b: {  	s29 =	simm.s32 $0x800;
	s28 =	simm.s32 $0x100;
	[sflag:s16] =	ssyncset.done $0x0  }
.LBB2_4:
0x7c: {  	s0 =	sadd.s32 $0x80, s28  }
0x7d: {  	[sflag:s16] =	ssyncadd.s32 $0xFFFFC000;
	s30 =	smov.u32 s29;
	s31 =	sadd.s32 $0x400, s29  }
0x7e: {  	[tilespmem:s20], [sflag:$0x2] =	stream.indirect.gather [hbm4b:s3+s18], $0x80, s0, s18, $0xb8;
	[tilespmem:$0x1E400] =	vst v63  }
0x7f: {  	p1 =	sne.s32 s29, $0x4800;
	_ =	swait.ge [sflag:s21], $0x4000  }
0x80: {  	[sflag:s21] =	ssyncset.done $0x0  }
0x81: {  	s0 =	sadd.s32 $0x1400, s28;
	[sflag:s21] =	ssyncadd.s32 $0xFFFFC000  }
0x82: {  	[spmem:s1] =	stream.indirect.scatter.add.f32 [tilespmem:s19], [sflag:$0x3], $0x80, s0, s18, $0xb8;
	[tilespmem:$0x1E400] =	vst v63  }
0x83: {  	_ =	swait.ge [sflag:s16], $0x4000  }
0x84: {  	[sflag:s16] =	ssyncset.done $0x0  }
0x85: {  	s0 =	sadd.s32 $0x100, s28;
	[sflag:s16] =	ssyncadd.s32 $0xFFFFC000  }
0x86: {  	[tilespmem:s19], [sflag:$0x1] =	stream.indirect.gather [hbm4b:s3+s18], $0x80, s0, s18, $0xb8;
	[tilespmem:$0x1E400] =	vst v63  }
0x87: {  	_ =	swait.ge [sflag:s22], $0x4000  }
.Ltmp1:
0x88: {  	[sflag:s22] =	ssyncset.done $0x0;
	(pc) =	sbr.rel @p1 .LBB2_4-.Ltmp1, $4  }
0x89: {  	s0 =	sadd.s32 $0x1480, s28;
	[sflag:s22] =	ssyncadd.s32 $0xFFFFC000  }
0x8a: {  	[spmem:s1] =	stream.indirect.scatter.add.f32 [tilespmem:s20], [sflag:$0x3], $0x80, s0, s18, $0xb8;
	[tilespmem:$0x1E400] =	vst v63  }
0x8b: {  	_ =	swait.ge [sflag:s16], $0x4000  }
0x8c: {  	s29 =	smov.u32 s31;
	s28 =	sshra.s32 s30, $0x2;
	[sflag:s16] =	ssyncset.done $0x0  }
0x8d: {  	s0 =	sadd.s32 $0x80, s28;
	[sflag:s16] =	ssyncadd.s32 $0xFFFFC000  }
0x8e: {  	[tilespmem:s20], [sflag:$0x2] =	stream.indirect.gather [hbm4b:s3+s18], $0x80, s0, s18, $0xb8;
	[tilespmem:$0x1E400] =	vst v63  }
0x8f: {  	_ =	swait.ge [sflag:s21], $0x4000  }
0x90: {  	[sflag:s21] =	ssyncset.done $0x0  }
0x91: {  	s29 =	sadd.s32 $0x1400, s28;
	[sflag:s21] =	ssyncadd.s32 $0xFFFFC000  }
0x92: {  	[spmem:s1] =	stream.indirect.scatter.add.f32 [tilespmem:s19], [sflag:$0x3], $0x80, s29, s18, $0xb8;
	[tilespmem:$0x1E400] =	vst v63  }
0x93: {  	_ =	swait.ge [sflag:s16], $0x4000  }
0x94: {  	[sflag:s16] =	ssyncset.done $0x0  }
0x95: {  	s30 =	sadd.s32 $0x100, s28;
	[sflag:s16] =	ssyncadd.s32 $0xFFFFC000  }
0x96: {  	[tilespmem:s19], [sflag:$0x1] =	stream.indirect.gather [hbm4b:s3+s18], $0x80, s30, s18, $0xb8;
	[tilespmem:$0x1E400] =	vst v63  }
0x97: {  	_ =	swait.ge [sflag:s22], $0x4000  }
0x98: {  	[sflag:s22] =	ssyncset.done $0x0  }
0x99: {  	s31 =	sadd.s32 $0x1480, s28;
	[sflag:s22] =	ssyncadd.s32 $0xFFFFC000  }
0x9a: {  	[spmem:s1] =	stream.indirect.scatter.add.f32 [tilespmem:s20], [sflag:$0x3], $0x80, s31, s18, $0xb8;
	[tilespmem:$0x1E400] =	vst v63  }
0x9b: {  	_ =	swait.ge [sflag:s16], $0x4000  }
0x9c: {  	[sflag:s16] =	ssyncset.done $0x0  }
0x9d: {  	[sflag:s16] =	ssyncadd.s32 $0xFFFFC000  }
0x9e: {  	[tilespmem:s20], [sflag:$0x2] =	stream.indirect.gather [hbm4b:s3+s18], $0x80, s23, s18, $0xb8;
	[tilespmem:$0x1E400] =	vst v63  }
0x9f: {  	_ =	swait.ge [sflag:s21], $0x4000  }
0xa0: {  	[sflag:s21] =	ssyncset.done $0x0  }
0xa1: {  	[sflag:s21] =	ssyncadd.s32 $0xFFFFC000  }
0xa2: {  	[spmem:s1] =	stream.indirect.scatter.add.f32 [tilespmem:s19], [sflag:$0x3], $0x80, s24, s18, $0xb8;
	[tilespmem:$0x1E400] =	vst v63  }
0xa3: {  	_ =	swait.ge [sflag:s16], $0x4000  }
0xa4: {  	[sflag:s16] =	ssyncset.done $0x0  }
0xa5: {  	[sflag:s16] =	ssyncadd.s32 $0xFFFFC000  }
0xa6: {  	_ =	swait.ge [sflag:s22], $0x4000  }
0xa7: {  	[sflag:s22] =	ssyncset.done $0x0  }
0xa8: {  	[sflag:s22] =	ssyncadd.s32 $0xFFFFC000  }
0xa9: {  	[spmem:s1] =	stream.indirect.scatter.add.f32 [tilespmem:s20], [sflag:$0x3], $0x80, s25, s18, $0xb8;
	[tilespmem:$0x1E400] =	vst v63  }
0xaa: {  	_ =	swait.ge [sflag:s16], $0x4000  }
0xab: {  	[sflag:s16] =	ssyncset.done $0x0  }
0xac: {  	[sflag:s16] =	ssyncadd.s32 $0xFFFFC000  }
0xad: {  	s0 =	sshrl.u32 @p0 s6, $0x3;
	[bflag:$0x0] =	sbarrier.arrive $0xFFFF  }
0xae: {  	[hbm:s13], [sflag:s7] =	dma.local @p0 [spmem:s0], $0x2080  }
0xaf: {  	s0 =	simm.s32 @p0 $0x3  }
0xb0: {  	_ =	swait.ge @p0 [sflag:s0], $0x2080  }
0xb1: {  	s26 =	sadd.s32 $0x1, s26;
	[sflag:s0] =	ssyncset.done @p0 $0x0  }
0xb2: {  	p1 =	sne.s32 s26, s14;
	[sflag:s0] =	ssyncadd.s32 @p0 $0xFFFFDF80;
	s0 =	sshrl.u32 @!p0 s6, $0x3  }
0xb3: {  	[hbm:s12], [sflag:s7] =	dma.local @!p0 [spmem:s0], $0x2780  }
.Ltmp2:
0xb4: {  	_ = 	snop;
	(pc) =	sbr.rel @p1 .LBB2_1-.Ltmp2, $4  }
0xb5: {  	s0 =	simm.s32 @!p0 $0x3  }
0xb6: {  	_ =	swait.ge @!p0 [sflag:s0], $0x2780  }
0xb7: {  	[sflag:s0] =	ssyncset.done @!p0 $0x0  }
0xb8: {  	[sflag:s0] =	ssyncadd.s32 @!p0 $0xFFFFD880  }
0xb9: {  	_ =	sfence.sel $0x180000  }
0xba: {  	[bflag:$0x0] =	sbarrier.arrive $0xFFFF  }
0xbb: {  	_ =	strace $0x9000004A  }
0xbc: {  	[bflag:$0x2] =	sbarrier.arrive $0xFFFF  }
0xbd: {  	p0 =	sne.s32 s4, $0x0;
	s0 =	rddreg [dreg:$0x3]  }
0xbe: {  	s0 =	sadd.s32 @!p0 $0x100000, s0  }
0xbf: {  	[sflag:s0] =	ssyncadd.tile.s32 @!p0 $0x1;
	_ =	shalt  }
.Lfunc_end2:
_tile_overlayer_lowered:
.L_overlay_start_2:
0xc0: {  	(tag) =	ssettag $0x2  }
0xc1: {  	s0 =	rddreg [dreg:$0x0];
	s2 =	stileid.u32  }
0xc2: {  	s1 =	rddreg [dreg:$0x1];
	p0 =	sne.s32 s2, $0x0  }
0xc3: {  	s3 =	rddreg [dreg:$0x2];
	[bflag:$0x3] =	sbarrier.arrive $0xFFFF;
	s2 =	simm.s32 @!p0 $0x1C03  }
0xc4: {  	[timem:s3], [sflag:s2] =	dma.local @!p0 [hbm:s0], s1  }
0xc5: {  	s0 =	simm.s32 @!p0 $0x3  }
0xc6: {  	_ =	swait.ge @!p0 [sflag:s0], s1  }
0xc7: {  	s1 =	ssub.s32 @!p0 $0x0, s1;
	[sflag:s0] =	ssyncset.done @!p0 $0x0  }
0xc8: {  	[sflag:s0] =	ssyncadd.s32 @!p0 s1  }
0xc9: {  	[bflag:$0x3] =	sbarrier.arrive $0xFFFF  }
0xca: {  	_ =	shalt  }

// kernel: kernel.14.cloned.1.call-start
scs
__scs_entry_jumppad:
0x0: {  	(pc) =	sbr.rel $0x88, $3  }
0x1: {  	(tag) =	ssettag $0x0;
	lr =	simm.s32 $0x1  }
0x2: {  	[smem:$0x3F99] =	sst lr;
	_ =	strace $0xD0000000  }
0x3: {  	_ = 	snop  }
0x4: {  	_ = 	snop  }
0x5: {  	_ = 	snop  }
0x6: {  	_ = 	snop  }
0x7: {  	_ = 	snop  }
__scs_overlays_trampoline_lowered:
0x8: {  	[smem:$0x3FA8] =	sst s0  }
0x9: {  	[smem:$0x3FA9] =	sst s1  }
0xa: {  	[smem:$0x3FAA] =	sst s2  }
0xb: {  	[smem:$0x3FAB] =	sst s3  }
0xc: {  	[smem:$0x3FAC] =	sst s4  }
0xd: {  	[smem:$0x3FAD] =	sst s5  }
0xe: {  	[smem:$0x3FAE] =	sst s6  }
0xf: {  	[smem:$0x3FAF] =	sst s7  }
0x10: {  	[smem:$0x3FB0] =	sst s8  }
0x11: {  	[smem:$0x3FB1] =	sst s9;
	s0 =	simm.s32 @!p0 $0x0  }
0x12: {  	s1 =	sld [smem:$0x3F97];
	s0 =	simm.s32 @p0 $0x1  }
0x13: {  	[smem:$0x3FB2] =	sst s0;
	s0 =	simm.s32 @!p1 $0x0  }
0x14: {  	s2 =	sld [smem:$0x3F96];
	s0 =	simm.s32 @p1 $0x1  }
0x15: {  	[smem:$0x3FB3] =	sst s0;
	s0 =	simm.s32 @!p2 $0x0  }
0x16: {  	s3 =	sld [smem:$0x3FDB];
	s0 =	simm.s32 @p2 $0x1  }
0x17: {  	s4 =	simm.s32 $0x1BF5;
	[smem:$0x3FB5] =	sst s0  }
0x18: {  	s0 =	sld [smem:$0x3F98];
	_ =	swait.ge [sflag:s4], $0x0  }
0x19: {  	s7 =	sld [smem:$0x3F99]  }
0x1a: {  	s8 =	sadd.s32 $0xFFFFE003, lr  }
0x1b: {  	s9 =	sadd.s32 $0xFFFFFEF7, lr;
	s5 =	simm.s32 $0xFFFFFFFF;
	p2 =	slt.u32 s8, $0xFFFFF086  }
0x1c: {  	p1 =	slt.u32 s9, $0xF7A;
	s5 =	simm.s32 @!p2 $0x0  }
0x1d: {  	s5 =	simm.s32 @p1 $0x1;
	p0 =	seq.s32 s7, s2  }
0x1e: {  	s7 =	smul.u32 @!p0 $0xF7A, s2;
	p2 =	seq.s32 @!p0 s5, $0x0  }
0x1f: {  	s9 =	smul.u32 $0xF7A, s1;
	s8 =	simm.s32 @!p0 $0x1BF5;
	p2 =	por !p2, p0  }
0x20: {  	[sflag:s8] =	ssyncset.s32 @!p0 $0xFFFFF086;
	s6 =	sadd.s32 @!p0 s3, s7;
	s7 =	simm.s32 @!p0 $0x108  }
0x21: {  	s3 =	sadd.s32 s3, s9;
	s6 =	sadd.s32 @!p0 $0x88, s6;
	s7 =	simm.s32 @p2 $0x1082  }
0x22: {  	[simem:s7], [sflag:s8] =	dma.local @!p0 [hbm:s6], $0xF7A  }
0x23: {  	s9 =	sor.u32 $0xD0000000, s2;
	s6 =	simm.s32 $0x108;
	_ =	swait.ge @!p0 [sflag:s8], $0x0  }
0x24: {  	s3 =	sadd.s32 $0x88, s3;
	s6 =	simm.s32 @!p1 $0x1082;
	[sflag:s4] =	ssyncset.s32 $0xFFFFF086  }
0x25: {  	[simem:s6], [sflag:s4] =	dma.local [hbm:s3], $0xF7A  }
0x26: {  	[smem:$0x3F99] =	sst s1;
	(tag) =	ssettag s2;
	_ =	strace s9  }
0x27: {  	s1 =	sld [smem:$0x3FA9]  }
0x28: {  	s2 =	sld [smem:$0x3FAA]  }
0x29: {  	s4 =	sld [smem:$0x3FAC]  }
0x2a: {  	p0 =	seq.s32 s5, $0x0;
	s5 =	sld [smem:$0x3FAD]  }
0x2b: {  	s6 =	sld [smem:$0x3FAE]  }
0x2c: {  	s7 =	sld [smem:$0x3FAF]  }
0x2d: {  	s3 =	simm.s32 $0x108;
	s8 =	sld [smem:$0x3FB0]  }
0x2e: {  	s3 =	simm.s32 @!p0 $0x1082;
	s9 =	sld [smem:$0x3FB1]  }
0x2f: {  	lr =	sadd.s32 s0, s3;
	s0 =	sld [smem:$0x3FA8]  }
0x30: {  	s3 =	sld [smem:$0x3FAB]  }
0x31: {  	[smem:$0x3FB4] =	sst s10  }
0x32: {  	s10 =	sld [smem:$0x3FB2];
	_ =	sdelay $0x3  }
0x33: {  	p0 =	seq.s32 s10, $0x1;
	s10 =	sld [smem:$0x3FB4];
	_ =	sdelay $0x3  }
0x34: {  	[smem:$0x3FB4] =	sst s10  }
0x35: {  	s10 =	sld [smem:$0x3FB3];
	_ =	sdelay $0x3  }
0x36: {  	p1 =	seq.s32 s10, $0x1;
	s10 =	sld [smem:$0x3FB4];
	_ =	sdelay $0x3  }
0x37: {  	[smem:$0x3FB4] =	sst s10  }
0x38: {  	s10 =	sld [smem:$0x3FB5]  }
0x39: {  	_ = 	snop;
	(pc) =	sbr.ind lr, $3  }
0x3a: {  	_ = 	snop  }
0x3b: {  	_ = 	snop  }
0x3c: {  	p2 =	seq.s32 s10, $0x1;
	s10 =	sld [smem:$0x3FB4]  }
0x3d: {  	_ =	shalt  }
0x3e: {  	_ =	shalt  }
0x3f: {  	_ =	shalt  }
0x40: {  	_ =	shalt  }
0x41: {  	_ =	shalt  }
0x42: {  	_ =	shalt  }
0x43: {  	_ =	shalt  }
0x44: {  	_ =	shalt  }
0x45: {  	_ =	shalt  }
0x46: {  	_ =	shalt  }
0x47: {  	_ =	shalt  }
0x48: {  	_ =	shalt  }
0x49: {  	_ =	shalt  }
0x4a: {  	_ =	shalt  }
0x4b: {  	_ =	shalt  }
0x4c: {  	_ =	shalt  }
0x4d: {  	_ =	shalt  }
0x4e: {  	_ =	shalt  }
0x4f: {  	_ =	shalt  }
0x50: {  	_ =	shalt  }
0x51: {  	_ =	shalt  }
0x52: {  	_ =	shalt  }
0x53: {  	_ =	shalt  }
0x54: {  	_ =	shalt  }
0x55: {  	_ =	shalt  }
0x56: {  	_ =	shalt  }
0x57: {  	_ =	shalt  }
0x58: {  	_ =	shalt  }
0x59: {  	_ =	shalt  }
0x5a: {  	_ =	shalt  }
0x5b: {  	_ =	shalt  }
0x5c: {  	_ =	shalt  }
0x5d: {  	_ =	shalt  }
0x5e: {  	_ =	shalt  }
0x5f: {  	_ =	shalt  }
0x60: {  	_ =	shalt  }
0x61: {  	_ =	shalt  }
0x62: {  	_ =	shalt  }
0x63: {  	_ =	shalt  }
0x64: {  	_ =	shalt  }
0x65: {  	_ =	shalt  }
0x66: {  	_ =	shalt  }
0x67: {  	_ =	shalt  }
0x68: {  	_ =	shalt  }
0x69: {  	_ =	shalt  }
0x6a: {  	_ =	shalt  }
0x6b: {  	_ =	shalt  }
0x6c: {  	_ =	shalt  }
0x6d: {  	_ =	shalt  }
0x6e: {  	_ =	shalt  }
0x6f: {  	_ =	shalt  }
0x70: {  	_ =	shalt  }
0x71: {  	_ =	shalt  }
0x72: {  	_ =	shalt  }
0x73: {  	_ =	shalt  }
0x74: {  	_ =	shalt  }
0x75: {  	_ =	shalt  }
0x76: {  	_ =	shalt  }
0x77: {  	_ =	shalt  }
0x78: {  	_ =	shalt  }
0x79: {  	_ =	shalt  }
0x7a: {  	_ =	shalt  }
0x7b: {  	_ =	shalt  }
0x7c: {  	_ =	shalt  }
0x7d: {  	_ =	shalt  }
0x7e: {  	_ =	shalt  }
0x7f: {  	_ =	shalt  }
0x80: {  	_ =	shalt  }
0x81: {  	_ =	shalt  }
0x82: {  	_ =	shalt  }
0x83: {  	_ =	shalt  }
0x84: {  	_ =	shalt  }
0x85: {  	_ =	shalt  }
0x86: {  	_ =	shalt  }
0x87: {  	_ =	shalt  }
.Lfunc_end0:
.L_simem_size_0:
called_computation.2_lowered:
.L_overlay_start_0:
0x88: {  	s2 =	sld [smem:$0x3FD9]  }
0x89: {  	s3 =	sld [smem:$0x3FFE];
	_ =	sdelay $0x1  }
0x8a: {  	s1 =	srdreg.scid  }
0x8b: {  	s0 =	sand.u32 $0x1, s1  }
0x8c: {  	s17 =	sshll.u32 s0, $0xA;
	s2 =	sadd.s32 s3, s2  }
0x8d: {  	s2 =	sadd.s32 s2, s17  }
0x8e: {  	[smem:$0x3FC0] =	sst s2  }
0x8f: {  	_ = 	snop  }
0x90: {  	s2 =	sld [smem:$0x3FD0];
	(tm) =	ssettm $0x1  }
0x91: {  	s18 =	sld [smem:$0x3FFB];
	_ =	sdelay $0x3  }
0x92: {  	_ =	strace s18  }
0x93: {  	s3 =	sld [smem:$0x3FFC];
	_ =	sdelay $0x3  }
0x94: {  	_ =	strace s3  }
0x95: {  	s3 =	sld [smem:$0x3FFD];
	_ =	sdelay $0x3  }
0x96: {  	_ =	strace s3  }
0x97: {  	_ =	strace $0x8FFFFFFF  }
0x98: {  	s19 =	sld [smem:$0x3FDB];
	_ =	sdelay $0x1  }
0x99: {  	s4 =	simm.s32 $_scs_section_size  }
0x9a: {  	s5 =	simm.s32 $_size__tile_overlayer_lowered;
	s6 =	simm.s32 $_tile_overlayer_lowered  }
0x9b: {  	s22 =	simm.s32 $0x1BFF;
	s21 =	sshll.u32 s6, $0x1;
	s3 =	sadd.s32 s4, s19  }
0x9c: {  	s7 =	simm.s32 $0x0;
	s20 =	sshll.u32 s5, $0x1;
	s5 =	sadd.s32 s21, s3  }
0x9d: {  	[timem:s7], [sflag:s22] =	dma.local [hbm:s5], s20  }
0x9e: {  	_ =	swait.ge [sflag:s22], s20  }
0x9f: {  	s4 =	ssub.s32 $0x0, s20;
	[sflag:s22] =	ssyncset.done $0x0  }
0xa0: {  	[sflag:s22] =	ssyncadd.s32 s4;
	_ =	sdelay $0x1  }
0xa1: {  	s23 =	simm.s32 $0x1B8B  }
0xa2: {  	_ =	swait.ge [sflag:s23], $0x1  }
0xa3: {  	[sflag:s23] =	ssyncset.done $0x0  }
0xa4: {  	s25 =	simm.s32 $0x1B8E;
	s24 =	sld [smem:$0x3FFE];
	[sflag:s23] =	ssyncadd.s32 $0xFFFFFFFF  }
0xa5: {  	s26 =	simm.s32 $execute0_lowered;
	[smem:$0x3FD2] =	sst s25  }
0xa6: {  	s5 =	sshll.u32 s26, $0x1;
	_ =	strace $0x8000004C;
	[dreg:$0x1] =	wrdreg $0xFFFFFFFF  }
0xa7: {  	s28 =	simm.s32 $_size_execute0_lowered;
	s3 =	sadd.s32 s3, s5;
	[dreg:$0x0] =	wrdreg $0x0  }
0xa8: {  	s5 =	sshll.u32 s28, $0x1;
	[dreg:$0x2] =	wrdreg s3  }
0xa9: {  	[dreg:$0x3] =	wrdreg s5  }
0xaa: {  	[dreg:$0x4] =	wrdreg $0xC0  }
0xab: {  	_ =	task [dreg:s7], $0x5FFFF  }
0xac: {  	[dreg:$0x1] =	wrdreg $0xFFFFFFFF  }
0xad: {  	[dreg:$0x0] =	wrdreg $0x60  }
0xae: {  	[dreg:$0x2] =	wrdreg s24  }
0xaf: {  	[dreg:$0x3] =	wrdreg s2  }
0xb0: {  	[dreg:$0x4] =	wrdreg $0xA8000  }
0xb1: {  	[dreg:$0x5] =	wrdreg $0x9  }
0xb2: {  	_ =	task.clear_ibuf [dreg:s7], $0x6FFFF;
	_ =	strace $0x9000004C  }
0xb3: {  	s29 =	simm.s32 $0x9;
	_ =	strace $0x8000004E  }
0xb4: {  	_ =	swait.ge [sflag:s29], $0x1  }
0xb5: {  	[sflag:s29] =	ssyncadd.s32 $0xFFFFFFFF  }
0xb6: {  	_ =	strace $0x9000004E  }
0xb7: {  	_ =	sfence  }
0xb8: {  	s30 =	sld [smem:$0x0];
	_ =	sdelay $0x2  }
0xb9: {  	s31 =	sshll.u32 s1, $0xD;
	s1 =	sshrl.u32 s1, $0x2  }
0xba: {  	s3 =	sand.u32 $0x4000, s31;
	s1 =	sadd.s32 s1, s30  }
0xbb: {  	s0 =	sor.u32 s3, s0;
	s1 =	sshll.u32 s1, $0x11  }
0xbc: {  	s0 =	sor.u32 s1, s0  }
0xbd: {  	s0 =	sadd.s32 $0x8F2B, s0  }
0xbe: {  	[sflag:s0] =	ssyncadd.remote.s32 $0x1  }
0xbf: {  	_ =	sfence.sel $0xFFFF  }
0xc0: {  	[dreg:$0x0] =	wrdreg $0xFFFFFFFF;
	(pc) =	sbr.abs _section_cstart, $3  }
0xc1: {  	[dreg:$0x1] =	wrdreg $0xFFFFFFFF  }
0xc2: {  	_ =	task.clear_ibuf [dreg:s7], $0x2FFFF;
	_ =	strace $0x9FFFFFFF  }
0xc3: {  	(tm) =	ssettm $0x7FFFFFFF  }
tec
execute0_lowered:
.L_overlay_start_1:
0x0: {  	(tag) =	ssettag $0x1  }
0x1: {  	s4 =	rddreg [dreg:$0x0]  }
0x2: {  	s11 =	rddreg [dreg:$0x1]  }
0x3: {  	s1 =	rddreg [dreg:$0x2];
	s2 =	simm.s32 $0x0  }
0x4: {  	s6 =	srdreg.scid;
	s18 =	simm.s32 $0x80;
	s19 =	simm.s32 $0x2800  }
0x5: {  	s20 =	simm.s32 $0x6800;
	s21 =	simm.s32 $0x1;
	s22 =	simm.s32 $0x2  }
0x6: {  	s23 =	simm.s32 $0x1380;
	s3 =	sadd.s32 $0xEC00, s4;
	s10 =	sadd.s32 $0x2400, s4  }
0x7: {  	s5 =	sadd.s32 $0xC400, s4;
	s13 =	sadd.s32 $0x35E00, s4;
	s4 =	stileid.u32  }
0x8: {  	s24 =	simm.s32 $0x2700;
	s25 =	simm.s32 $0x2780;
	s9 =	smul.u32 $0x4F000, s4  }
0x9: {  	[smem:$0x7FF] =	sst s2;
	s8 =	sand.u32 $0x1, s6;
	s14 =	smul.u32 $0x2780, s4  }
0xa: {  	_ =	strace $0x8000004D;
	s6 =	ssub.s32 $0x2, s8;
	s30 =	smul.u32 $0x27100, s8  }
0xb: {  	s7 =	sshll.u32 s8, $0x4;
	s29 =	sshll.u32 s4, $0x6;
	s17 =	smul.u32 $0x138800, s8  }
0xc: {  	p0 =	seq.s32 s4, $0xF;
	s12 =	sshrl.u32 s6, $0x1;
	s7 =	sor.u32 s4, s7  }
0xd: {  	s15 =	ssub.s32 s6, s12;
	s26 =	sshrl.u32 s9, $0x2;
	s28 =	smul.u32 $0x2800, s7  }
0xe: {  	s7 =	sor.u32 $0x1C03, s29;
	s12 =	sadd.s32 s14, s30;
	s31 =	sshrl.u32 s17, $0x3  }
0xf: {  	s17 =	simm.s32 $0x1400;
	s6 =	sadd.s32 s26, s1;
	s12 =	sadd.s32 s13, s12  }
0x10: {  	s13 =	sadd.s32 s13, s31;
	s14 =	smax.u32 s15, $0x1;
	s26 =	simm.s32 $0x0  }
0x11: {  	s16 =	sshrl.u32 s28, $0x3;
	s13 =	sadd.s32 $0x25080, s13;
	s15 =	sshrl.u32 s6, $0x3  }
0x12: {  	s8 =	sadd.s32 s10, s16;
	s9 =	sadd.s32 s11, s16;
	s16 =	sadd.s32 $0x280, s16  }
0x13: {  	s10 =	sadd.s32 s10, s16;
	s11 =	sadd.s32 s11, s16;
	s16 =	simm.s32 $0x3  }
.LBB2_1:
0x14: {  	[spmem:s15], [sflag:s7] =	dma.local [hbm:s5], $0x2780  }
0x15: {  	_ =	swait.ge [sflag:s16], $0x2780  }
0x16: {  	[sflag:s16] =	ssyncset.done $0x0  }
0x17: {  	[sflag:s16] =	ssyncadd.s32 $0xFFFFD880  }
0x18: {  	[bflag:$0x0] =	sbarrier.arrive $0xFFFF  }
0x19: {  	[tilespmem:s2], [sflag:$0x3] =	stream.linear.gather [hbm4b:s8+s2], $0x1400, $0x38;
	[tilespmem:$0x1E400] =	vst v63  }
0x1a: {  	_ =	swait.ge [sflag:s16], $0x1400  }
0x1b: {  	[sflag:s16] =	ssyncset.done $0x0  }
0x1c: {  	[sflag:s16] =	ssyncadd.s32 $0xFFFFEC00  }
0x1d: {  	[tilespmem:s17], [sflag:$0x3] =	stream.linear.gather [hbm4b:s9+s2], $0x1400, $0x38;
	[tilespmem:$0x1E400] =	vst v63  }
0x1e: {  	_ =	swait.ge [sflag:s16], $0x1400  }
0x1f: {  	[sflag:s16] =	ssyncset.done $0x0  }
0x20: {  	[sflag:s16] =	ssyncadd.s32 $0xFFFFEC00  }
0x21: {  	[tilespmem:s19], [sflag:$0x1] =	stream.indirect.gather [hbm4b:s3+s18], $0x80, s2, s18, $0xb8;
	[tilespmem:$0x1E400] =	vst v63  }
0x22: {  	s28 =	simm.s32 $0x80  }
0x23: {  	[tilespmem:s20], [sflag:$0x2] =	stream.indirect.gather [hbm4b:s3+s18], $0x80, s28, s18, $0xb8;
	[tilespmem:$0x1E400] =	vst v63  }
0x24: {  	_ =	swait.ge [sflag:s21], $0x4000  }
0x25: {  	[sflag:s21] =	ssyncset.done $0x0  }
0x26: {  	s28 =	simm.s32 $0x1400;
	[sflag:s21] =	ssyncadd.s32 $0xFFFFC000  }
0x27: {  	[spmem:s1] =	stream.indirect.scatter.add.f32 [tilespmem:s19], [sflag:$0x3], $0x80, s28, s18, $0xb8;
	[tilespmem:$0x1E400] =	vst v63  }
0x28: {  	_ =	swait.ge [sflag:s16], $0x4000  }
0x29: {  	[sflag:s16] =	ssyncset.done $0x0  }
0x2a: {  	s28 =	simm.s32 $0x100;
	[sflag:s16] =	ssyncadd.s32 $0xFFFFC000  }
0x2b: {  	[tilespmem:s19], [sflag:$0x1] =	stream.indirect.gather [hbm4b:s3+s18], $0x80, s28, s18, $0xb8;
	[tilespmem:$0x1E400] =	vst v63  }
0x2c: {  	_ =	swait.ge [sflag:s22], $0x4000  }
0x2d: {  	[sflag:s22] =	ssyncset.done $0x0  }
0x2e: {  	s28 =	simm.s32 $0x1480;
	[sflag:s22] =	ssyncadd.s32 $0xFFFFC000  }
0x2f: {  	[spmem:s1] =	stream.indirect.scatter.add.f32 [tilespmem:s20], [sflag:$0x3], $0x80, s28, s18, $0xb8;
	[tilespmem:$0x1E400] =	vst v63  }
0x30: {  	_ =	swait.ge [sflag:s16], $0x4000  }
0x31: {  	s29 =	simm.s32 $0x800;
	s28 =	simm.s32 $0x100;
	[sflag:s16] =	ssyncset.done $0x0  }
.LBB2_2:
0x32: {  	s30 =	sadd.s32 $0x80, s28  }
0x33: {  	[sflag:s16] =	ssyncadd.s32 $0xFFFFC000;
	s31 =	smov.u32 s29;
	s0 =	sadd.s32 $0x400, s29  }
0x34: {  	[tilespmem:s20], [sflag:$0x2] =	stream.indirect.gather [hbm4b:s3+s18], $0x80, s30, s18, $0xb8;
	[tilespmem:$0x1E400] =	vst v63  }
0x35: {  	p1 =	sne.s32 s29, $0x4800;
	_ =	swait.ge [sflag:s21], $0x4000  }
0x36: {  	[sflag:s21] =	ssyncset.done $0x0  }
0x37: {  	s29 =	sadd.s32 $0x1400, s28;
	[sflag:s21] =	ssyncadd.s32 $0xFFFFC000  }
0x38: {  	[spmem:s1] =	stream.indirect.scatter.add.f32 [tilespmem:s19], [sflag:$0x3], $0x80, s29, s18, $0xb8;
	[tilespmem:$0x1E400] =	vst v63  }
0x39: {  	_ =	swait.ge [sflag:s16], $0x4000  }
0x3a: {  	[sflag:s16] =	ssyncset.done $0x0  }
0x3b: {  	s29 =	sadd.s32 $0x100, s28;
	[sflag:s16] =	ssyncadd.s32 $0xFFFFC000  }
0x3c: {  	[tilespmem:s19], [sflag:$0x1] =	stream.indirect.gather [hbm4b:s3+s18], $0x80, s29, s18, $0xb8;
	[tilespmem:$0x1E400] =	vst v63  }
0x3d: {  	_ =	swait.ge [sflag:s22], $0x4000  }
.Ltmp0:
0x3e: {  	[sflag:s22] =	ssyncset.done $0x0;
	(pc) =	sbr.rel @p1 .LBB2_2-.Ltmp0, $4  }
0x3f: {  	s28 =	sadd.s32 $0x1480, s28;
	[sflag:s22] =	ssyncadd.s32 $0xFFFFC000  }
0x40: {  	[spmem:s1] =	stream.indirect.scatter.add.f32 [tilespmem:s20], [sflag:$0x3], $0x80, s28, s18, $0xb8;
	[tilespmem:$0x1E400] =	vst v63  }
0x41: {  	_ =	swait.ge [sflag:s16], $0x4000  }
0x42: {  	s29 =	smov.u32 s0;
	s28 =	sshra.s32 s31, $0x2;
	[sflag:s16] =	ssyncset.done $0x0  }
0x43: {  	s0 =	sadd.s32 $0x80, s28;
	[sflag:s16] =	ssyncadd.s32 $0xFFFFC000  }
0x44: {  	[tilespmem:s20], [sflag:$0x2] =	stream.indirect.gather [hbm4b:s3+s18], $0x80, s0, s18, $0xb8;
	[tilespmem:$0x1E400] =	vst v63  }
0x45: {  	_ =	swait.ge [sflag:s21], $0x4000  }
0x46: {  	[sflag:s21] =	ssyncset.done $0x0  }
0x47: {  	s30 =	sadd.s32 $0x1400, s28;
	[sflag:s21] =	ssyncadd.s32 $0xFFFFC000  }
0x48: {  	[spmem:s1] =	stream.indirect.scatter.add.f32 [tilespmem:s19], [sflag:$0x3], $0x80, s30, s18, $0xb8;
	[tilespmem:$0x1E400] =	vst v63  }
0x49: {  	_ =	swait.ge [sflag:s16], $0x4000  }
0x4a: {  	[sflag:s16] =	ssyncset.done $0x0  }
0x4b: {  	s31 =	sadd.s32 $0x100, s28;
	[sflag:s16] =	ssyncadd.s32 $0xFFFFC000  }
0x4c: {  	[tilespmem:s19], [sflag:$0x1] =	stream.indirect.gather [hbm4b:s3+s18], $0x80, s31, s18, $0xb8;
	[tilespmem:$0x1E400] =	vst v63  }
0x4d: {  	_ =	swait.ge [sflag:s22], $0x4000  }
0x4e: {  	[sflag:s22] =	ssyncset.done $0x0  }
0x4f: {  	s30 =	sadd.s32 $0x1480, s28;
	[sflag:s22] =	ssyncadd.s32 $0xFFFFC000  }
0x50: {  	[spmem:s1] =	stream.indirect.scatter.add.f32 [tilespmem:s20], [sflag:$0x3], $0x80, s30, s18, $0xb8;
	[tilespmem:$0x1E400] =	vst v63  }
0x51: {  	_ =	swait.ge [sflag:s16], $0x4000  }
0x52: {  	[sflag:s16] =	ssyncset.done $0x0  }
0x53: {  	[sflag:s16] =	ssyncadd.s32 $0xFFFFC000  }
0x54: {  	[tilespmem:s20], [sflag:$0x2] =	stream.indirect.gather [hbm4b:s3+s18], $0x80, s23, s18, $0xb8;
	[tilespmem:$0x1E400] =	vst v63  }
0x55: {  	_ =	swait.ge [sflag:s21], $0x4000  }
0x56: {  	[sflag:s21] =	ssyncset.done $0x0  }
0x57: {  	[sflag:s21] =	ssyncadd.s32 $0xFFFFC000  }
0x58: {  	[spmem:s1] =	stream.indirect.scatter.add.f32 [tilespmem:s19], [sflag:$0x3], $0x80, s24, s18, $0xb8;
	[tilespmem:$0x1E400] =	vst v63  }
0x59: {  	_ =	swait.ge [sflag:s16], $0x4000  }
0x5a: {  	[sflag:s16] =	ssyncset.done $0x0  }
0x5b: {  	[sflag:s16] =	ssyncadd.s32 $0xFFFFC000  }
0x5c: {  	_ =	swait.ge [sflag:s22], $0x4000  }
0x5d: {  	[sflag:s22] =	ssyncset.done $0x0  }
0x5e: {  	[sflag:s22] =	ssyncadd.s32 $0xFFFFC000  }
0x5f: {  	[spmem:s1] =	stream.indirect.scatter.add.f32 [tilespmem:s20], [sflag:$0x3], $0x80, s25, s18, $0xb8;
	[tilespmem:$0x1E400] =	vst v63  }
0x60: {  	_ =	swait.ge [sflag:s16], $0x4000  }
0x61: {  	[sflag:s16] =	ssyncset.done $0x0  }
0x62: {  	s31 =	simm.s32 $0x0;
	[sflag:s16] =	ssyncadd.s32 $0xFFFFC000  }
0x63: {  	[tilespmem:s31], [sflag:$0x3] =	stream.linear.gather [hbm4b:s10+s31], $0x1400, $0x38;
	[tilespmem:$0x1E400] =	vst v63  }
0x64: {  	_ =	swait.ge [sflag:s16], $0x1400  }
0x65: {  	[sflag:s16] =	ssyncset.done $0x0  }
0x66: {  	[sflag:s16] =	ssyncadd.s32 $0xFFFFEC00  }
0x67: {  	[tilespmem:s17], [sflag:$0x3] =	stream.linear.gather [hbm4b:s11+s31], $0x1400, $0x38;
	[tilespmem:$0x1E400] =	vst v63  }
0x68: {  	_ =	swait.ge [sflag:s16], $0x1400  }
0x69: {  	[sflag:s16] =	ssyncset.done $0x0  }
0x6a: {  	[sflag:s16] =	ssyncadd.s32 $0xFFFFEC00  }
0x6b: {  	[tilespmem:s19], [sflag:$0x1] =	stream.indirect.gather [hbm4b:s3+s18], $0x80, s31, s18, $0xb8;
	[tilespmem:$0x1E400] =	vst v63  }
0x6c: {  	s30 =	simm.s32 $0x80  }
0x6d: {  	[tilespmem:s20], [sflag:$0x2] =	stream.indirect.gather [hbm4b:s3+s18], $0x80, s30, s18, $0xb8;
	[tilespmem:$0x1E400] =	vst v63  }
0x6e: {  	_ =	swait.ge [sflag:s21], $0x4000  }
0x6f: {  	[sflag:s21] =	ssyncset.done $0x0  }
0x70: {  	s31 =	simm.s32 $0x1400;
	[sflag:s21] =	ssyncadd.s32 $0xFFFFC000  }
0x71: {  	[spmem:s1] =	stream.indirect.scatter.add.f32 [tilespmem:s19], [sflag:$0x3], $0x80, s31, s18, $0xb8;
	[tilespmem:$0x1E400] =	vst v63  }
0x72: {  	_ =	swait.ge [sflag:s16], $0x4000  }
0x73: {  	[sflag:s16] =	ssyncset.done $0x0  }
0x74: {  	s30 =	simm.s32 $0x100;
	[sflag:s16] =	ssyncadd.s32 $0xFFFFC000  }
0x75: {  	[tilespmem:s19], [sflag:$0x1] =	stream.indirect.gather [hbm4b:s3+s18], $0x80, s30, s18, $0xb8;
	[tilespmem:$0x1E400] =	vst v63  }
0x76: {  	_ =	swait.ge [sflag:s22], $0x4000  }
0x77: {  	[sflag:s22] =	ssyncset.done $0x0  }
0x78: {  	s31 =	simm.s32 $0x1480;
	[sflag:s22] =	ssyncadd.s32 $0xFFFFC000  }
0x79: {  	[spmem:s1] =	stream.indirect.scatter.add.f32 [tilespmem:s20], [sflag:$0x3], $0x80, s31, s18, $0xb8;
	[tilespmem:$0x1E400] =	vst v63  }
0x7a: {  	_ =	swait.ge [sflag:s16], $0x4000  }
0x7b: {  	s29 =	simm.s32 $0x800;
	s28 =	simm.s32 $0x100;
	[sflag:s16] =	ssyncset.done $0x0  }
.LBB2_4:
0x7c: {  	s0 =	sadd.s32 $0x80, s28  }
0x7d: {  	[sflag:s16] =	ssyncadd.s32 $0xFFFFC000;
	s30 =	smov.u32 s29;
	s31 =	sadd.s32 $0x400, s29  }
0x7e: {  	[tilespmem:s20], [sflag:$0x2] =	stream.indirect.gather [hbm4b:s3+s18], $0x80, s0, s18, $0xb8;
	[tilespmem:$0x1E400] =	vst v63  }
0x7f: {  	p1 =	sne.s32 s29, $0x4800;
	_ =	swait.ge [sflag:s21], $0x4000  }
0x80: {  	[sflag:s21] =	ssyncset.done $0x0  }
0x81: {  	s0 =	sadd.s32 $0x1400, s28;
	[sflag:s21] =	ssyncadd.s32 $0xFFFFC000  }
0x82: {  	[spmem:s1] =	stream.indirect.scatter.add.f32 [tilespmem:s19], [sflag:$0x3], $0x80, s0, s18, $0xb8;
	[tilespmem:$0x1E400] =	vst v63  }
0x83: {  	_ =	swait.ge [sflag:s16], $0x4000  }
0x84: {  	[sflag:s16] =	ssyncset.done $0x0  }
0x85: {  	s0 =	sadd.s32 $0x100, s28;
	[sflag:s16] =	ssyncadd.s32 $0xFFFFC000  }
0x86: {  	[tilespmem:s19], [sflag:$0x1] =	stream.indirect.gather [hbm4b:s3+s18], $0x80, s0, s18, $0xb8;
	[tilespmem:$0x1E400] =	vst v63  }
0x87: {  	_ =	swait.ge [sflag:s22], $0x4000  }
.Ltmp1:
0x88: {  	[sflag:s22] =	ssyncset.done $0x0;
	(pc) =	sbr.rel @p1 .LBB2_4-.Ltmp1, $4  }
0x89: {  	s0 =	sadd.s32 $0x1480, s28;
	[sflag:s22] =	ssyncadd.s32 $0xFFFFC000  }
0x8a: {  	[spmem:s1] =	stream.indirect.scatter.add.f32 [tilespmem:s20], [sflag:$0x3], $0x80, s0, s18, $0xb8;
	[tilespmem:$0x1E400] =	vst v63  }
0x8b: {  	_ =	swait.ge [sflag:s16], $0x4000  }
0x8c: {  	s29 =	smov.u32 s31;
	s28 =	sshra.s32 s30, $0x2;
	[sflag:s16] =	ssyncset.done $0x0  }
0x8d: {  	s0 =	sadd.s32 $0x80, s28;
	[sflag:s16] =	ssyncadd.s32 $0xFFFFC000  }
0x8e: {  	[tilespmem:s20], [sflag:$0x2] =	stream.indirect.gather [hbm4b:s3+s18], $0x80, s0, s18, $0xb8;
	[tilespmem:$0x1E400] =	vst v63  }
0x8f: {  	_ =	swait.ge [sflag:s21], $0x4000  }
0x90: {  	[sflag:s21] =	ssyncset.done $0x0  }
0x91: {  	s29 =	sadd.s32 $0x1400, s28;
	[sflag:s21] =	ssyncadd.s32 $0xFFFFC000  }
0x92: {  	[spmem:s1] =	stream.indirect.scatter.add.f32 [tilespmem:s19], [sflag:$0x3], $0x80, s29, s18, $0xb8;
	[tilespmem:$0x1E400] =	vst v63  }
0x93: {  	_ =	swait.ge [sflag:s16], $0x4000  }
0x94: {  	[sflag:s16] =	ssyncset.done $0x0  }
0x95: {  	s30 =	sadd.s32 $0x100, s28;
	[sflag:s16] =	ssyncadd.s32 $0xFFFFC000  }
0x96: {  	[tilespmem:s19], [sflag:$0x1] =	stream.indirect.gather [hbm4b:s3+s18], $0x80, s30, s18, $0xb8;
	[tilespmem:$0x1E400] =	vst v63  }
0x97: {  	_ =	swait.ge [sflag:s22], $0x4000  }
0x98: {  	[sflag:s22] =	ssyncset.done $0x0  }
0x99: {  	s31 =	sadd.s32 $0x1480, s28;
	[sflag:s22] =	ssyncadd.s32 $0xFFFFC000  }
0x9a: {  	[spmem:s1] =	stream.indirect.scatter.add.f32 [tilespmem:s20], [sflag:$0x3], $0x80, s31, s18, $0xb8;
	[tilespmem:$0x1E400] =	vst v63  }
0x9b: {  	_ =	swait.ge [sflag:s16], $0x4000  }
0x9c: {  	[sflag:s16] =	ssyncset.done $0x0  }
0x9d: {  	[sflag:s16] =	ssyncadd.s32 $0xFFFFC000  }
0x9e: {  	[tilespmem:s20], [sflag:$0x2] =	stream.indirect.gather [hbm4b:s3+s18], $0x80, s23, s18, $0xb8;
	[tilespmem:$0x1E400] =	vst v63  }
0x9f: {  	_ =	swait.ge [sflag:s21], $0x4000  }
0xa0: {  	[sflag:s21] =	ssyncset.done $0x0  }
0xa1: {  	[sflag:s21] =	ssyncadd.s32 $0xFFFFC000  }
0xa2: {  	[spmem:s1] =	stream.indirect.scatter.add.f32 [tilespmem:s19], [sflag:$0x3], $0x80, s24, s18, $0xb8;
	[tilespmem:$0x1E400] =	vst v63  }
0xa3: {  	_ =	swait.ge [sflag:s16], $0x4000  }
0xa4: {  	[sflag:s16] =	ssyncset.done $0x0  }
0xa5: {  	[sflag:s16] =	ssyncadd.s32 $0xFFFFC000  }
0xa6: {  	_ =	swait.ge [sflag:s22], $0x4000  }
0xa7: {  	[sflag:s22] =	ssyncset.done $0x0  }
0xa8: {  	[sflag:s22] =	ssyncadd.s32 $0xFFFFC000  }
0xa9: {  	[spmem:s1] =	stream.indirect.scatter.add.f32 [tilespmem:s20], [sflag:$0x3], $0x80, s25, s18, $0xb8;
	[tilespmem:$0x1E400] =	vst v63  }
0xaa: {  	_ =	swait.ge [sflag:s16], $0x4000  }
0xab: {  	[sflag:s16] =	ssyncset.done $0x0  }
0xac: {  	[sflag:s16] =	ssyncadd.s32 $0xFFFFC000  }
0xad: {  	s0 =	sshrl.u32 @p0 s6, $0x3;
	[bflag:$0x0] =	sbarrier.arrive $0xFFFF  }
0xae: {  	[hbm:s13], [sflag:s7] =	dma.local @p0 [spmem:s0], $0x2080  }
0xaf: {  	s0 =	simm.s32 @p0 $0x3  }
0xb0: {  	_ =	swait.ge @p0 [sflag:s0], $0x2080  }
0xb1: {  	s26 =	sadd.s32 $0x1, s26;
	[sflag:s0] =	ssyncset.done @p0 $0x0  }
0xb2: {  	p1 =	sne.s32 s26, s14;
	[sflag:s0] =	ssyncadd.s32 @p0 $0xFFFFDF80;
	s0 =	sshrl.u32 @!p0 s6, $0x3  }
0xb3: {  	[hbm:s12], [sflag:s7] =	dma.local @!p0 [spmem:s0], $0x2780  }
.Ltmp2:
0xb4: {  	_ = 	snop;
	(pc) =	sbr.rel @p1 .LBB2_1-.Ltmp2, $4  }
0xb5: {  	s0 =	simm.s32 @!p0 $0x3  }
0xb6: {  	_ =	swait.ge @!p0 [sflag:s0], $0x2780  }
0xb7: {  	[sflag:s0] =	ssyncset.done @!p0 $0x0  }
0xb8: {  	[sflag:s0] =	ssyncadd.s32 @!p0 $0xFFFFD880  }
0xb9: {  	_ =	sfence.sel $0x180000  }
0xba: {  	[bflag:$0x0] =	sbarrier.arrive $0xFFFF  }
0xbb: {  	_ =	strace $0x9000004D  }
0xbc: {  	[bflag:$0x2] =	sbarrier.arrive $0xFFFF  }
0xbd: {  	p0 =	sne.s32 s4, $0x0;
	s0 =	rddreg [dreg:$0x3]  }
0xbe: {  	s0 =	sadd.s32 @!p0 $0x100000, s0  }
0xbf: {  	[sflag:s0] =	ssyncadd.tile.s32 @!p0 $0x1;
	_ =	shalt  }
.Lfunc_end2:
_tile_overlayer_lowered:
.L_overlay_start_2:
0xc0: {  	(tag) =	ssettag $0x2  }
0xc1: {  	s0 =	rddreg [dreg:$0x0];
	s2 =	stileid.u32  }
0xc2: {  	s1 =	rddreg [dreg:$0x1];
	p0 =	sne.s32 s2, $0x0  }
0xc3: {  	s3 =	rddreg [dreg:$0x2];
	[bflag:$0x3] =	sbarrier.arrive $0xFFFF;
	s2 =	simm.s32 @!p0 $0x1C03  }
0xc4: {  	[timem:s3], [sflag:s2] =	dma.local @!p0 [hbm:s0], s1  }
0xc5: {  	s0 =	simm.s32 @!p0 $0x3  }
0xc6: {  	_ =	swait.ge @!p0 [sflag:s0], s1  }
0xc7: {  	s1 =	ssub.s32 @!p0 $0x0, s1;
	[sflag:s0] =	ssyncset.done @!p0 $0x0  }
0xc8: {  	[sflag:s0] =	ssyncadd.s32 @!p0 s1  }
0xc9: {  	[bflag:$0x3] =	sbarrier.arrive $0xFFFF  }
0xca: {  	_ =	shalt  }

// kernel: kernel.8.cloned.1.call-start
scs
__scs_entry_jumppad:
0x0: {  	(pc) =	sbr.rel $0x88, $3  }
0x1: {  	(tag) =	ssettag $0x0;
	lr =	simm.s32 $0x1  }
0x2: {  	[smem:$0x3F99] =	sst lr;
	_ =	strace $0xD0000000  }
0x3: {  	_ = 	snop  }
0x4: {  	_ = 	snop  }
0x5: {  	_ = 	snop  }
0x6: {  	_ = 	snop  }
0x7: {  	_ = 	snop  }
__scs_overlays_trampoline_lowered:
0x8: {  	[smem:$0x3FA8] =	sst s0  }
0x9: {  	[smem:$0x3FA9] =	sst s1  }
0xa: {  	[smem:$0x3FAA] =	sst s2  }
0xb: {  	[smem:$0x3FAB] =	sst s3  }
0xc: {  	[smem:$0x3FAC] =	sst s4  }
0xd: {  	[smem:$0x3FAD] =	sst s5  }
0xe: {  	[smem:$0x3FAE] =	sst s6  }
0xf: {  	[smem:$0x3FAF] =	sst s7  }
0x10: {  	[smem:$0x3FB0] =	sst s8  }
0x11: {  	[smem:$0x3FB1] =	sst s9;
	s0 =	simm.s32 @!p0 $0x0  }
0x12: {  	s1 =	sld [smem:$0x3F97];
	s0 =	simm.s32 @p0 $0x1  }
0x13: {  	[smem:$0x3FB2] =	sst s0;
	s0 =	simm.s32 @!p1 $0x0  }
0x14: {  	s2 =	sld [smem:$0x3F96];
	s0 =	simm.s32 @p1 $0x1  }
0x15: {  	[smem:$0x3FB3] =	sst s0;
	s0 =	simm.s32 @!p2 $0x0  }
0x16: {  	s3 =	sld [smem:$0x3FDB];
	s0 =	simm.s32 @p2 $0x1  }
0x17: {  	s4 =	simm.s32 $0x1BF5;
	[smem:$0x3FB5] =	sst s0  }
0x18: {  	s0 =	sld [smem:$0x3F98];
	_ =	swait.ge [sflag:s4], $0x0  }
0x19: {  	s7 =	sld [smem:$0x3F99]  }
0x1a: {  	s8 =	sadd.s32 $0xFFFFE003, lr  }
0x1b: {  	s9 =	sadd.s32 $0xFFFFFEF7, lr;
	s5 =	simm.s32 $0xFFFFFFFF;
	p2 =	slt.u32 s8, $0xFFFFF086  }
0x1c: {  	p1 =	slt.u32 s9, $0xF7A;
	s5 =	simm.s32 @!p2 $0x0  }
0x1d: {  	s5 =	simm.s32 @p1 $0x1;
	p0 =	seq.s32 s7, s2  }
0x1e: {  	s7 =	smul.u32 @!p0 $0xF7A, s2;
	p2 =	seq.s32 @!p0 s5, $0x0  }
0x1f: {  	s9 =	smul.u32 $0xF7A, s1;
	s8 =	simm.s32 @!p0 $0x1BF5;
	p2 =	por !p2, p0  }
0x20: {  	[sflag:s8] =	ssyncset.s32 @!p0 $0xFFFFF086;
	s6 =	sadd.s32 @!p0 s3, s7;
	s7 =	simm.s32 @!p0 $0x108  }
0x21: {  	s3 =	sadd.s32 s3, s9;
	s6 =	sadd.s32 @!p0 $0x88, s6;
	s7 =	simm.s32 @p2 $0x1082  }
0x22: {  	[simem:s7], [sflag:s8] =	dma.local @!p0 [hbm:s6], $0xF7A  }
0x23: {  	s9 =	sor.u32 $0xD0000000, s2;
	s6 =	simm.s32 $0x108;
	_ =	swait.ge @!p0 [sflag:s8], $0x0  }
0x24: {  	s3 =	sadd.s32 $0x88, s3;
	s6 =	simm.s32 @!p1 $0x1082;
	[sflag:s4] =	ssyncset.s32 $0xFFFFF086  }
0x25: {  	[simem:s6], [sflag:s4] =	dma.local [hbm:s3], $0xF7A  }
0x26: {  	[smem:$0x3F99] =	sst s1;
	(tag) =	ssettag s2;
	_ =	strace s9  }
0x27: {  	s1 =	sld [smem:$0x3FA9]  }
0x28: {  	s2 =	sld [smem:$0x3FAA]  }
0x29: {  	s4 =	sld [smem:$0x3FAC]  }
0x2a: {  	p0 =	seq.s32 s5, $0x0;
	s5 =	sld [smem:$0x3FAD]  }
0x2b: {  	s6 =	sld [smem:$0x3FAE]  }
0x2c: {  	s7 =	sld [smem:$0x3FAF]  }
0x2d: {  	s3 =	simm.s32 $0x108;
	s8 =	sld [smem:$0x3FB0]  }
0x2e: {  	s3 =	simm.s32 @!p0 $0x1082;
	s9 =	sld [smem:$0x3FB1]  }
0x2f: {  	lr =	sadd.s32 s0, s3;
	s0 =	sld [smem:$0x3FA8]  }
0x30: {  	s3 =	sld [smem:$0x3FAB]  }
0x31: {  	[smem:$0x3FB4] =	sst s10  }
0x32: {  	s10 =	sld [smem:$0x3FB2];
	_ =	sdelay $0x3  }
0x33: {  	p0 =	seq.s32 s10, $0x1;
	s10 =	sld [smem:$0x3FB4];
	_ =	sdelay $0x3  }
0x34: {  	[smem:$0x3FB4] =	sst s10  }
0x35: {  	s10 =	sld [smem:$0x3FB3];
	_ =	sdelay $0x3  }
0x36: {  	p1 =	seq.s32 s10, $0x1;
	s10 =	sld [smem:$0x3FB4];
	_ =	sdelay $0x3  }
0x37: {  	[smem:$0x3FB4] =	sst s10  }
0x38: {  	s10 =	sld [smem:$0x3FB5]  }
0x39: {  	_ = 	snop;
	(pc) =	sbr.ind lr, $3  }
0x3a: {  	_ = 	snop  }
0x3b: {  	_ = 	snop  }
0x3c: {  	p2 =	seq.s32 s10, $0x1;
	s10 =	sld [smem:$0x3FB4]  }
0x3d: {  	_ =	shalt  }
0x3e: {  	_ =	shalt  }
0x3f: {  	_ =	shalt  }
0x40: {  	_ =	shalt  }
0x41: {  	_ =	shalt  }
0x42: {  	_ =	shalt  }
0x43: {  	_ =	shalt  }
0x44: {  	_ =	shalt  }
0x45: {  	_ =	shalt  }
0x46: {  	_ =	shalt  }
0x47: {  	_ =	shalt  }
0x48: {  	_ =	shalt  }
0x49: {  	_ =	shalt  }
0x4a: {  	_ =	shalt  }
0x4b: {  	_ =	shalt  }
0x4c: {  	_ =	shalt  }
0x4d: {  	_ =	shalt  }
0x4e: {  	_ =	shalt  }
0x4f: {  	_ =	shalt  }
0x50: {  	_ =	shalt  }
0x51: {  	_ =	shalt  }
0x52: {  	_ =	shalt  }
0x53: {  	_ =	shalt  }
0x54: {  	_ =	shalt  }
0x55: {  	_ =	shalt  }
0x56: {  	_ =	shalt  }
0x57: {  	_ =	shalt  }
0x58: {  	_ =	shalt  }
0x59: {  	_ =	shalt  }
0x5a: {  	_ =	shalt  }
0x5b: {  	_ =	shalt  }
0x5c: {  	_ =	shalt  }
0x5d: {  	_ =	shalt  }
0x5e: {  	_ =	shalt  }
0x5f: {  	_ =	shalt  }
0x60: {  	_ =	shalt  }
0x61: {  	_ =	shalt  }
0x62: {  	_ =	shalt  }
0x63: {  	_ =	shalt  }
0x64: {  	_ =	shalt  }
0x65: {  	_ =	shalt  }
0x66: {  	_ =	shalt  }
0x67: {  	_ =	shalt  }
0x68: {  	_ =	shalt  }
0x69: {  	_ =	shalt  }
0x6a: {  	_ =	shalt  }
0x6b: {  	_ =	shalt  }
0x6c: {  	_ =	shalt  }
0x6d: {  	_ =	shalt  }
0x6e: {  	_ =	shalt  }
0x6f: {  	_ =	shalt  }
0x70: {  	_ =	shalt  }
0x71: {  	_ =	shalt  }
0x72: {  	_ =	shalt  }
0x73: {  	_ =	shalt  }
0x74: {  	_ =	shalt  }
0x75: {  	_ =	shalt  }
0x76: {  	_ =	shalt  }
0x77: {  	_ =	shalt  }
0x78: {  	_ =	shalt  }
0x79: {  	_ =	shalt  }
0x7a: {  	_ =	shalt  }
0x7b: {  	_ =	shalt  }
0x7c: {  	_ =	shalt  }
0x7d: {  	_ =	shalt  }
0x7e: {  	_ =	shalt  }
0x7f: {  	_ =	shalt  }
0x80: {  	_ =	shalt  }
0x81: {  	_ =	shalt  }
0x82: {  	_ =	shalt  }
0x83: {  	_ =	shalt  }
0x84: {  	_ =	shalt  }
0x85: {  	_ =	shalt  }
0x86: {  	_ =	shalt  }
0x87: {  	_ =	shalt  }
.Lfunc_end0:
.L_simem_size_0:
called_computation_lowered:
.L_overlay_start_0:
0x88: {  	s2 =	sld [smem:$0x3FD9]  }
0x89: {  	s3 =	sld [smem:$0x3FFE];
	_ =	sdelay $0x1  }
0x8a: {  	s1 =	srdreg.scid  }
0x8b: {  	s0 =	sand.u32 $0x1, s1  }
0x8c: {  	s17 =	sshll.u32 s0, $0xA;
	s2 =	sadd.s32 s3, s2  }
0x8d: {  	s2 =	sadd.s32 s2, s17  }
0x8e: {  	[smem:$0x3FC0] =	sst s2  }
0x8f: {  	_ = 	snop  }
0x90: {  	s2 =	sld [smem:$0x3FD0];
	(tm) =	ssettm $0x1  }
0x91: {  	s18 =	sld [smem:$0x3FFB];
	_ =	sdelay $0x3  }
0x92: {  	_ =	strace s18  }
0x93: {  	s3 =	sld [smem:$0x3FFC];
	_ =	sdelay $0x3  }
0x94: {  	_ =	strace s3  }
0x95: {  	s3 =	sld [smem:$0x3FFD];
	_ =	sdelay $0x3  }
0x96: {  	_ =	strace s3  }
0x97: {  	_ =	strace $0x8FFFFFFF  }
0x98: {  	s19 =	sld [smem:$0x3FDB];
	_ =	sdelay $0x1  }
0x99: {  	s4 =	simm.s32 $_scs_section_size  }
0x9a: {  	s5 =	simm.s32 $_size__tile_overlayer_lowered;
	s6 =	simm.s32 $_tile_overlayer_lowered  }
0x9b: {  	s22 =	simm.s32 $0x1BFF;
	s21 =	sshll.u32 s6, $0x1;
	s3 =	sadd.s32 s4, s19  }
0x9c: {  	s7 =	simm.s32 $0x0;
	s20 =	sshll.u32 s5, $0x1;
	s5 =	sadd.s32 s21, s3  }
0x9d: {  	[timem:s7], [sflag:s22] =	dma.local [hbm:s5], s20  }
0x9e: {  	_ =	swait.ge [sflag:s22], s20  }
0x9f: {  	s4 =	ssub.s32 $0x0, s20;
	[sflag:s22] =	ssyncset.done $0x0  }
0xa0: {  	[sflag:s22] =	ssyncadd.s32 s4;
	_ =	sdelay $0x1  }
0xa1: {  	s23 =	simm.s32 $0x1B8B  }
0xa2: {  	_ =	swait.ge [sflag:s23], $0x1  }
0xa3: {  	[sflag:s23] =	ssyncset.done $0x0  }
0xa4: {  	s25 =	simm.s32 $0x1B8E;
	s24 =	sld [smem:$0x3FFE];
	[sflag:s23] =	ssyncadd.s32 $0xFFFFFFFF  }
0xa5: {  	s26 =	simm.s32 $execute0_lowered;
	[smem:$0x3FD2] =	sst s25  }
0xa6: {  	s5 =	sshll.u32 s26, $0x1;
	_ =	strace $0x80000046;
	[dreg:$0x1] =	wrdreg $0xFFFFFFFF  }
0xa7: {  	s28 =	simm.s32 $_size_execute0_lowered;
	s3 =	sadd.s32 s3, s5;
	[dreg:$0x0] =	wrdreg $0x0  }
0xa8: {  	s5 =	sshll.u32 s28, $0x1;
	[dreg:$0x2] =	wrdreg s3  }
0xa9: {  	[dreg:$0x3] =	wrdreg s5  }
0xaa: {  	[dreg:$0x4] =	wrdreg $0xC0  }
0xab: {  	_ =	task [dreg:s7], $0x5FFFF  }
0xac: {  	[dreg:$0x1] =	wrdreg $0xFFFFFFFF  }
0xad: {  	[dreg:$0x0] =	wrdreg $0x60  }
0xae: {  	[dreg:$0x2] =	wrdreg s2  }
0xaf: {  	[dreg:$0x3] =	wrdreg s24  }
0xb0: {  	[dreg:$0x4] =	wrdreg $0x68000  }
0xb1: {  	[dreg:$0x5] =	wrdreg $0x9  }
0xb2: {  	_ =	task.clear_ibuf [dreg:s7], $0x6FFFF;
	_ =	strace $0x90000046  }
0xb3: {  	s29 =	simm.s32 $0x9;
	_ =	strace $0x80000048  }
0xb4: {  	_ =	swait.ge [sflag:s29], $0x1  }
0xb5: {  	[sflag:s29] =	ssyncadd.s32 $0xFFFFFFFF  }
0xb6: {  	_ =	strace $0x90000048  }
0xb7: {  	_ =	sfence  }
0xb8: {  	s30 =	sld [smem:$0x0];
	_ =	sdelay $0x2  }
0xb9: {  	s31 =	sshll.u32 s1, $0xD;
	s1 =	sshrl.u32 s1, $0x2  }
0xba: {  	s3 =	sand.u32 $0x4000, s31;
	s1 =	sadd.s32 s1, s30  }
0xbb: {  	s0 =	sor.u32 s3, s0;
	s1 =	sshll.u32 s1, $0x11  }
0xbc: {  	s0 =	sor.u32 s1, s0  }
0xbd: {  	s0 =	sadd.s32 $0x8F2B, s0  }
0xbe: {  	[sflag:s0] =	ssyncadd.remote.s32 $0x1  }
0xbf: {  	_ =	sfence.sel $0xFFFF  }
0xc0: {  	[dreg:$0x0] =	wrdreg $0xFFFFFFFF;
	(pc) =	sbr.abs _section_cstart, $3  }
0xc1: {  	[dreg:$0x1] =	wrdreg $0xFFFFFFFF  }
0xc2: {  	_ =	task.clear_ibuf [dreg:s7], $0x2FFFF;
	_ =	strace $0x9FFFFFFF  }
0xc3: {  	(tm) =	ssettm $0x7FFFFFFF  }
tec
execute0_lowered:
.L_overlay_start_1:
0x0: {  	(tag) =	ssettag $0x1  }
0x1: {  	s7 =	rddreg [dreg:$0x0]  }
0x2: {  	s6 =	rddreg [dreg:$0x1]  }
0x3: {  	s1 =	rddreg [dreg:$0x2]  }
0x4: {  	s0 =	rddreg [dreg:$0x3];
	s2 =	simm.s32 $0x0;
	s3 =	srdreg.scid  }
0x5: {  	s17 =	simm.s32 $0x0;
	s8 =	sand.u32 $0x1, s3;
	s3 =	stileid.u32  }
0x6: {  	[smem:$0x7FF] =	sst s2;
	s4 =	sadd.s32 $0xEC00, s6;
	s11 =	smul.u32 $0x4F000, s3  }
0x7: {  	s5 =	sadd.s32 $0xC400, s6;
	s12 =	sadd.s32 $0xF400, s6;
	s25 =	smul.u32 $0x2780, s3  }
0x8: {  	_ =	strace $0x80000047;
	s9 =	ssub.s32 $0x2, s8;
	s13 =	smul.u32 $0x138800, s8  }
0x9: {  	s28 =	sshll.u32 s8, $0x4;
	s8 =	smul.u32 $0x27100, s8;
	s30 =	sshll.u32 s3, $0x6  }
0xa: {  	p0 =	seq.s32 s3, $0xF;
	s10 =	sshrl.u32 s9, $0x1;
	s29 =	sor.u32 s3, s28  }
0xb: {  	s6 =	sor.u32 $0x1C01, s30;
	s10 =	ssub.s32 s9, s10;
	s26 =	sshrl.u32 s11, $0x2  }
0xc: {  	s14 =	smul.u32 $0x500, s29;
	s13 =	sshrl.u32 s13, $0x3;
	s8 =	sadd.s32 s25, s8  }
0xd: {  	s16 =	sadd.s32 s26, s1;
	s31 =	sadd.s32 s12, s13;
	s8 =	sadd.s32 s12, s8  }
0xe: {  	s10 =	smax.u32 s10, $0x1;
	s12 =	simm.s32 $0x1;
	s13 =	simm.s32 $0x2800  }
0xf: {  	s7 =	sadd.s32 s7, s14;
	s9 =	sadd.s32 $0x25080, s31;
	s11 =	sshrl.u32 s16, $0x3  }
0x10: {  	s14 =	simm.s32 $0x80;
	s15 =	sshrl.u32 @p0 s16, $0x3;
	s16 =	sshrl.u32 @!p0 s16, $0x3  }
.LBB2_1:
0x11: {  	[spmem:s11], [sflag:s6] =	dma.local [hbm:s5], $0x2780  }
0x12: {  	_ =	swait.ge [sflag:s12], $0x2780  }
0x13: {  	[sflag:s12] =	ssyncset.done $0x0  }
0x14: {  	[sflag:s12] =	ssyncadd.s32 $0xFFFFD880  }
0x15: {  	[tilespmem:s13], [sflag:$0x1] =	stream.linear.gather [hbm4b:s4+s2], $0x4000, $0x38;
	[tilespmem:$0x1A400] =	vst v63  }
0x16: {  	_ =	swait.ge [sflag:s12], $0x4000  }
0x17: {  	[sflag:s12] =	ssyncset.done $0x0  }
0x18: {  	[sflag:s12] =	ssyncadd.s32 $0xFFFFC000  }
0x19: {  	[tilespmem:s2], [sflag:$0x1] =	stream.linear.gather [hbm4b:s7+s2], $0x2800, $0x38;
	[tilespmem:$0x1A400] =	vst v63  }
0x1a: {  	_ =	swait.ge [sflag:s12], $0x2800  }
0x1b: {  	[sflag:s12] =	ssyncset.done $0x0  }
0x1c: {  	[sflag:s12] =	ssyncadd.s32 $0xFFFFD800  }
0x1d: {  	s18 =	simm.s32 $0x0;
	[bflag:$0x0] =	sbarrier.arrive $0xFFFF  }
0x1e: {  	[spmem:s1] =	stream.indirect.scatter.add.f32 [tilespmem:s13], [sflag:$0x1], $0x80, s18, s14, $0xb8;
	[tilespmem:$0x1A400] =	vst v63  }
0x1f: {  	_ =	swait.ge [sflag:s12], $0x4000  }
0x20: {  	s18 =	simm.s32 $0x200;
	[sflag:s12] =	ssyncset.done $0x0  }
.LBB2_2:
0x21: {  	s19 =	sshra.s32 s18, $0x2;
	[sflag:s12] =	ssyncadd.s32 $0xFFFFC000;
	p1 =	sne.s32 s18, $0x9E00  }
0x22: {  	[spmem:s1] =	stream.indirect.scatter.add.f32 [tilespmem:s13], [sflag:$0x1], $0x80, s19, s14, $0xb8;
	[tilespmem:$0x1A400] =	vst v63  }
.Ltmp0:
0x23: {  	_ = 	snop;
	(pc) =	sbr.rel @p1 .LBB2_2-.Ltmp0, $4  }
0x24: {  	_ = 	snop  }
0x25: {  	s18 =	sadd.s32 $0x200, s18  }
0x26: {  	_ =	swait.ge [sflag:s12], $0x4000  }
0x27: {  	[sflag:s12] =	ssyncset.done $0x0  }
0x28: {  	[sflag:s12] =	ssyncadd.s32 $0xFFFFC000  }
0x29: {  	s18 =	simm.s32 @p0 $0x1;
	[bflag:$0x0] =	sbarrier.arrive $0xFFFF  }
0x2a: {  	[hbm:s9], [sflag:s6] =	dma.local @p0 [spmem:s15], $0x2080  }
0x2b: {  	s17 =	sadd.s32 $0x1, s17;
	_ =	swait.ge @p0 [sflag:s18], $0x2080  }
0x2c: {  	p1 =	sne.s32 s17, s10;
	[sflag:s18] =	ssyncset.done @p0 $0x0  }
.Ltmp1:
0x2d: {  	[sflag:s18] =	ssyncadd.s32 @p0 $0xFFFFDF80;
	s18 =	simm.s32 @!p0 $0x1;
	(pc) =	sbr.rel @p1 .LBB2_1-.Ltmp1, $4  }
0x2e: {  	[hbm:s8], [sflag:s6] =	dma.local @!p0 [spmem:s16], $0x2780  }
0x2f: {  	_ =	swait.ge @!p0 [sflag:s18], $0x2780  }
0x30: {  	[sflag:s18] =	ssyncset.done @!p0 $0x0  }
0x31: {  	[sflag:s18] =	ssyncadd.s32 @!p0 $0xFFFFD880  }
0x32: {  	_ =	sfence.sel $0x180000  }
0x33: {  	[bflag:$0x0] =	sbarrier.arrive $0xFFFF  }
0x34: {  	p0 =	sne.s32 s3, $0x0;
	_ =	strace $0x90000047  }
0x35: {  	s0 =	sadd.s32 @!p0 $0x100000, s0;
	[bflag:$0x2] =	sbarrier.arrive $0xFFFF  }
0x36: {  	[sflag:s0] =	ssyncadd.tile.s32 @!p0 $0x1;
	_ =	shalt  }
.Lfunc_end2:
_tile_overlayer_lowered:
.L_overlay_start_2:
0x37: {  	(tag) =	ssettag $0x2  }
0x38: {  	s0 =	rddreg [dreg:$0x0];
	s2 =	stileid.u32  }
0x39: {  	s1 =	rddreg [dreg:$0x1];
	p0 =	sne.s32 s2, $0x0  }
0x3a: {  	s3 =	rddreg [dreg:$0x2];
	[bflag:$0x3] =	sbarrier.arrive $0xFFFF;
	s2 =	simm.s32 @!p0 $0x1C01  }
0x3b: {  	[timem:s3], [sflag:s2] =	dma.local @!p0 [hbm:s0], s1  }
0x3c: {  	s0 =	simm.s32 @!p0 $0x1  }
0x3d: {  	_ =	swait.ge @!p0 [sflag:s0], s1  }
0x3e: {  	s1 =	ssub.s32 @!p0 $0x0, s1;
	[sflag:s0] =	ssyncset.done @!p0 $0x0  }
0x3f: {  	[sflag:s0] =	ssyncadd.s32 @!p0 s1  }
0x40: {  	[bflag:$0x3] =	sbarrier.arrive $0xFFFF  }
0x41: {  	_ =	shalt  }

</sc_bundles>
